<compile_context>
chip_gen: v7x
topology: tpu7x:2x2x1
jax: 0.10.2.dev20260603
libtpu: 0.0.44.dev20260713+nightly
codegen_flags: <defaults>
</compile_context>

<pallas_src>
import functools

import jax
import jax.numpy as jnp
from jax import lax
from jax.experimental import pallas as pl
from jax.experimental.pallas import tpu as pltpu
from jax.experimental.pallas import tpu_sc as plsc

_B = 16384
_D = 128

_info = plsc.get_sparse_core_info()
_NC, _NS = _info.num_cores, _info.num_subcores
_NW = _NC * _NS
_BPW = _B // _NW
_CH = 128
_CPT = _BPW // _CH
_NCHUNK = 2 * _CPT
_NBUF = 7

_mesh = plsc.VectorSubcoreMesh(core_axis_name="c", subcore_axis_name="s")


@functools.partial(
    pl.kernel,
    out_type=(
        jax.ShapeDtypeStruct((_B, _D), jnp.float32),
        jax.ShapeDtypeStruct((_B, _D), jnp.float32),
    ),
    mesh=_mesh,
    scratch_types=(
        [pltpu.VMEM((_CPT, _CH), jnp.int32)] * 2
        + [pltpu.VMEM((_CH, _D), jnp.float32)] * _NBUF
        + [pltpu.SemaphoreType.DMA] * (2 * _NBUF)
    ),
)
def _gather2(X_hbm, y_hbm, W1_hbm, W2_hbm, out1_hbm, out2_hbm,
             idx1_v, idx2_v, *bufs_and_sems):
    rows = bufs_and_sems[:_NBUF]
    gsem = bufs_and_sems[_NBUF:2 * _NBUF]
    wsem = bufs_and_sems[2 * _NBUF:]

    wid = lax.axis_index("s") * _NC + lax.axis_index("c")
    base = wid * _BPW

    pltpu.sync_copy(X_hbm.at[wid], idx1_v)
    pltpu.sync_copy(y_hbm.at[wid], idx2_v)

    chunks = ([(W1_hbm, idx1_v, out1_hbm, c) for c in range(_CPT)]
              + [(W2_hbm, idx2_v, out2_hbm, c) for c in range(_CPT)])

    def fire_gather(i):
        tbl, idxv, _, c = chunks[i]
        b = i % _NBUF
        return pltpu.async_copy(tbl.at[idxv.at[c]], rows[b], gsem[b])

    gathers = {}
    writes = {}
    for i in range(min(_NBUF, _NCHUNK)):
        gathers[i] = fire_gather(i)

    for i in range(_NCHUNK):
        b = i % _NBUF
        _, _, out, c = chunks[i]
        gathers[i].wait()
        writes[i] = pltpu.async_copy(
            rows[b], out.at[pl.ds(base + c * _CH, _CH)], wsem[b])
        if i + _NBUF < _NCHUNK:
            writes[i].wait()
            gathers[i + _NBUF] = fire_gather(i + _NBUF)

    for i in range(max(0, _NCHUNK - _NBUF), _NCHUNK):
        writes[i].wait()


def kernel(X, y, W1, W2):
    Xr = X.reshape(_NW, _CPT, _CH)
    yr = y.reshape(_NW, _CPT, _CH)
    return _gather2(Xr, yr, W1, W2)

# --- scband reference (transcript-rebuilt; emitter-appended) ---
"""Pipeline reference for scband-pytorch-word2-vec-74225624810003 (READ-ONLY COPY).

The authoritative reference and input builder live on the scoring server;
editing this copy changes nothing except your own understanding.
"""

import jax, jax.numpy as jnp
import numpy as np

EMBEDDING_SIZE = 100000  # num rows of each embedding table (module quirk)
HIDDEN_SIZE = 128        # embedding vector width
BATCH = 16384


def setup_inputs(seed: int = 0) -> dict:
    key = jax.random.key(seed)
    k1, k2, k3, k4 = jax.random.split(key, 4)
    scale = 1.0 / np.sqrt(EMBEDDING_SIZE)
    W1 = jax.random.uniform(k1, (EMBEDDING_SIZE, HIDDEN_SIZE), minval=-scale, maxval=scale, dtype=jnp.float32)
    W2 = jax.random.uniform(k2, (EMBEDDING_SIZE, HIDDEN_SIZE), minval=-scale, maxval=scale, dtype=jnp.float32)
    X = jax.random.randint(k3, (BATCH,), 0, EMBEDDING_SIZE, dtype=jnp.int32)
    y = jax.random.randint(k4, (BATCH,), 0, EMBEDDING_SIZE, dtype=jnp.int32)
    return {"X": X, "y": y, "W1": W1, "W2": W2}


def reference(X, y, W1, W2):
    # forward: embedding_1 = W1(X); embedding_2 = W2(y)
    embedding_1 = jnp.take(W1, X, axis=0)
    embedding_2 = jnp.take(W2, y, axis=0)
    return (embedding_1, embedding_2)

if __name__ == "__main__":
    import jax
    _d = setup_inputs()
    print(jax.jit(kernel)(*tuple(_d.values())))

</pallas_src>

<mosaic_0001>
#map = affine_map<(d0, d1) -> (0, 0, 0)>
#map1 = affine_map<(d0, d1) -> (0, 0)>
module attributes {stable_mosaic.version = 14 : i64} {
  func.func @_gather2(%arg0: i32, %arg1: i32, %arg2: memref<32x4x128xi32, #tpu.memory_space<hbm>>, %arg3: memref<32x4x128xi32, #tpu.memory_space<hbm>>, %arg4: memref<100000x128xf32, #tpu.memory_space<hbm>>, %arg5: memref<100000x128xf32, #tpu.memory_space<hbm>>, %arg6: memref<16384x128xf32, #tpu.memory_space<hbm>>, %arg7: memref<16384x128xf32, #tpu.memory_space<hbm>>, %arg8: memref<4x128xi32, #tpu.memory_space<vmem>>, %arg9: memref<4x128xi32, #tpu.memory_space<vmem>>, %arg10: memref<128x128xf32, #tpu.memory_space<vmem>>, %arg11: memref<128x128xf32, #tpu.memory_space<vmem>>, %arg12: memref<128x128xf32, #tpu.memory_space<vmem>>, %arg13: memref<128x128xf32, #tpu.memory_space<vmem>>, %arg14: memref<128x128xf32, #tpu.memory_space<vmem>>, %arg15: memref<128x128xf32, #tpu.memory_space<vmem>>, %arg16: memref<128x128xf32, #tpu.memory_space<vmem>>, %arg17: memref<!tpu.dma_semaphore, #tpu.memory_space<semaphore_mem>>, %arg18: memref<!tpu.dma_semaphore, #tpu.memory_space<semaphore_mem>>, %arg19: memref<!tpu.dma_semaphore, #tpu.memory_space<semaphore_mem>>, %arg20: memref<!tpu.dma_semaphore, #tpu.memory_space<semaphore_mem>>, %arg21: memref<!tpu.dma_semaphore, #tpu.memory_space<semaphore_mem>>, %arg22: memref<!tpu.dma_semaphore, #tpu.memory_space<semaphore_mem>>, %arg23: memref<!tpu.dma_semaphore, #tpu.memory_space<semaphore_mem>>, %arg24: memref<!tpu.dma_semaphore, #tpu.memory_space<semaphore_mem>>, %arg25: memref<!tpu.dma_semaphore, #tpu.memory_space<semaphore_mem>>, %arg26: memref<!tpu.dma_semaphore, #tpu.memory_space<semaphore_mem>>, %arg27: memref<!tpu.dma_semaphore, #tpu.memory_space<semaphore_mem>>, %arg28: memref<!tpu.dma_semaphore, #tpu.memory_space<semaphore_mem>>, %arg29: memref<!tpu.dma_semaphore, #tpu.memory_space<semaphore_mem>>, %arg30: memref<!tpu.dma_semaphore, #tpu.memory_space<semaphore_mem>>) attributes {dimension_semantics = [#tpu.dimension_semantics<core_parallel>, #tpu.dimension_semantics<subcore_parallel>], iteration_bounds = array<i64: 2, 16>, scalar_prefetch = 0 : i64, scratch_operands = 23 : i64, tpu.core_type = #tpu.core_type<sc_vector_subcore>, window_params = [{transform_indices = #map}, {transform_indices = #map}, {transform_indices = #map1}, {transform_indices = #map1}, {transform_indices = #map1}, {transform_indices = #map1}]} {
    %mul3A = arith.constant 2 : i32
    %mul3A_0 = arith.muli %arg1, %mul3A : i32
    %add3A = arith.addi %mul3A_0, %arg0 : i32
    %mul3A_1 = arith.constant 512 : i32
    %mul3A_2 = arith.muli %add3A, %mul3A_1 : i32
    "tpu.region"() ({
      %run_scoped3A = tpu.sem_alloc : memref<!tpu.dma_semaphore, #tpu.memory_space<semaphore_mem>>
      %dma_start3A_193 = arith.constant 0 : i32
      %dma_start3A_194 = arith.constant 0 : i32
      %dma_start3A_195 = tpu.memref_slice %arg2[%add3A, %dma_start3A_193, %dma_start3A_194] : memref<32x4x128xi32, #tpu.memory_space<hbm>> -> memref<1x4x128xi32, #tpu.memory_space<hbm>>
      %dma_start3A_196 = tpu.memref_squeeze %dma_start3A_195 : memref<1x4x128xi32, #tpu.memory_space<hbm>> -> memref<4x128xi32, #tpu.memory_space<hbm>>
      %dma_start3A_197 = arith.constant 0 : i32
      %dma_start3A_198 = arith.constant 0 : i32
      %dma_start3A_199 = tpu.memref_slice %arg2[%add3A, %dma_start3A_197, %dma_start3A_198] : memref<32x4x128xi32, #tpu.memory_space<hbm>> -> memref<1x4x128xi32, #tpu.memory_space<hbm>>
      %dma_start3A_200 = tpu.memref_squeeze %dma_start3A_199 : memref<1x4x128xi32, #tpu.memory_space<hbm>> -> memref<4x128xi32, #tpu.memory_space<hbm>>
      tpu.enqueue_dma source(%dma_start3A_200 : memref<4x128xi32, #tpu.memory_space<hbm>>) target(%arg8 : memref<4x128xi32, #tpu.memory_space<vmem>>) target_semaphore(%run_scoped3A : memref<!tpu.dma_semaphore, #tpu.memory_space<semaphore_mem>>)
      %dma_wait3A_201 = arith.constant 0 : i32
      %dma_wait3A_202 = arith.constant 0 : i32
      %dma_wait3A_203 = tpu.memref_slice %arg2[%add3A, %dma_wait3A_201, %dma_wait3A_202] : memref<32x4x128xi32, #tpu.memory_space<hbm>> -> memref<1x4x128xi32, #tpu.memory_space<hbm>>
      %dma_wait3A_204 = tpu.memref_squeeze %dma_wait3A_203 : memref<1x4x128xi32, #tpu.memory_space<hbm>> -> memref<4x128xi32, #tpu.memory_space<hbm>>
      %dma_wait3A_205 = arith.constant 0 : i32
      %dma_wait3A_206 = arith.constant 0 : i32
      %dma_wait3A_207 = tpu.memref_slice %arg2[%add3A, %dma_wait3A_205, %dma_wait3A_206] : memref<32x4x128xi32, #tpu.memory_space<hbm>> -> memref<1x4x128xi32, #tpu.memory_space<hbm>>
      %dma_wait3A_208 = tpu.memref_squeeze %dma_wait3A_207 : memref<1x4x128xi32, #tpu.memory_space<hbm>> -> memref<4x128xi32, #tpu.memory_space<hbm>>
      tpu.wait_dma2 semaphore(%run_scoped3A : memref<!tpu.dma_semaphore, #tpu.memory_space<semaphore_mem>>) src(%dma_wait3A_208 : memref<4x128xi32, #tpu.memory_space<hbm>>) dst(%arg8 : memref<4x128xi32, #tpu.memory_space<vmem>>)
      tpu.yield
    }) : () -> ()
    "tpu.region"() ({
      %run_scoped3A = tpu.sem_alloc : memref<!tpu.dma_semaphore, #tpu.memory_space<semaphore_mem>>
      %dma_start3A_193 = arith.constant 0 : i32
      %dma_start3A_194 = arith.constant 0 : i32
      %dma_start3A_195 = tpu.memref_slice %arg3[%add3A, %dma_start3A_193, %dma_start3A_194] : memref<32x4x128xi32, #tpu.memory_space<hbm>> -> memref<1x4x128xi32, #tpu.memory_space<hbm>>
      %dma_start3A_196 = tpu.memref_squeeze %dma_start3A_195 : memref<1x4x128xi32, #tpu.memory_space<hbm>> -> memref<4x128xi32, #tpu.memory_space<hbm>>
      %dma_start3A_197 = arith.constant 0 : i32
      %dma_start3A_198 = arith.constant 0 : i32
      %dma_start3A_199 = tpu.memref_slice %arg3[%add3A, %dma_start3A_197, %dma_start3A_198] : memref<32x4x128xi32, #tpu.memory_space<hbm>> -> memref<1x4x128xi32, #tpu.memory_space<hbm>>
      %dma_start3A_200 = tpu.memref_squeeze %dma_start3A_199 : memref<1x4x128xi32, #tpu.memory_space<hbm>> -> memref<4x128xi32, #tpu.memory_space<hbm>>
      tpu.enqueue_dma source(%dma_start3A_200 : memref<4x128xi32, #tpu.memory_space<hbm>>) target(%arg9 : memref<4x128xi32, #tpu.memory_space<vmem>>) target_semaphore(%run_scoped3A : memref<!tpu.dma_semaphore, #tpu.memory_space<semaphore_mem>>)
      %dma_wait3A_201 = arith.constant 0 : i32
      %dma_wait3A_202 = arith.constant 0 : i32
      %dma_wait3A_203 = tpu.memref_slice %arg3[%add3A, %dma_wait3A_201, %dma_wait3A_202] : memref<32x4x128xi32, #tpu.memory_space<hbm>> -> memref<1x4x128xi32, #tpu.memory_space<hbm>>
      %dma_wait3A_204 = tpu.memref_squeeze %dma_wait3A_203 : memref<1x4x128xi32, #tpu.memory_space<hbm>> -> memref<4x128xi32, #tpu.memory_space<hbm>>
      %dma_wait3A_205 = arith.constant 0 : i32
      %dma_wait3A_206 = arith.constant 0 : i32
      %dma_wait3A_207 = tpu.memref_slice %arg3[%add3A, %dma_wait3A_205, %dma_wait3A_206] : memref<32x4x128xi32, #tpu.memory_space<hbm>> -> memref<1x4x128xi32, #tpu.memory_space<hbm>>
      %dma_wait3A_208 = tpu.memref_squeeze %dma_wait3A_207 : memref<1x4x128xi32, #tpu.memory_space<hbm>> -> memref<4x128xi32, #tpu.memory_space<hbm>>
      tpu.wait_dma2 semaphore(%run_scoped3A : memref<!tpu.dma_semaphore, #tpu.memory_space<semaphore_mem>>) src(%dma_wait3A_208 : memref<4x128xi32, #tpu.memory_space<hbm>>) dst(%arg9 : memref<4x128xi32, #tpu.memory_space<vmem>>)
      tpu.yield
    }) : () -> ()
    %dma_start3A = arith.constant 0 : i32
    %dma_start3A_3 = arith.constant 0 : i32
    %dma_start3A_4 = tpu.memref_slice %arg8[%dma_start3A, %dma_start3A_3] : memref<4x128xi32, #tpu.memory_space<vmem>> -> memref<1x128xi32, #tpu.memory_space<vmem>>
    %dma_start3A_5 = tpu.memref_squeeze %dma_start3A_4 : memref<1x128xi32, #tpu.memory_space<vmem>> -> memref<128xi32, #tpu.memory_space<vmem>>
    %dma_start3A_6 = arith.constant 0 : i32
    %dma_start3A_7 = arith.constant 0 : i32
    %dma_start3A_8 = tpu.memref_slice %arg4[%dma_start3A_6, %dma_start3A_7] : memref<100000x128xf32, #tpu.memory_space<hbm>> -> memref<100000x128xf32, #tpu.memory_space<hbm>>
    tpu.enqueue_indirect_dma source(%dma_start3A_8 : memref<100000x128xf32, #tpu.memory_space<hbm>>) target(%arg10 : memref<128x128xf32, #tpu.memory_space<vmem>>) offsets(%dma_start3A_5 : memref<128xi32, #tpu.memory_space<vmem>>) semaphore(%arg17 : memref<!tpu.dma_semaphore, #tpu.memory_space<semaphore_mem>>)
    %dma_start3A_9 = arith.constant 1 : i32
    %dma_start3A_10 = arith.constant 0 : i32
    %dma_start3A_11 = tpu.memref_slice %arg8[%dma_start3A_9, %dma_start3A_10] : memref<4x128xi32, #tpu.memory_space<vmem>> -> memref<1x128xi32, #tpu.memory_space<vmem>>
    %dma_start3A_12 = tpu.memref_squeeze %dma_start3A_11 : memref<1x128xi32, #tpu.memory_space<vmem>> -> memref<128xi32, #tpu.memory_space<vmem>>
    %dma_start3A_13 = arith.constant 0 : i32
    %dma_start3A_14 = arith.constant 0 : i32
    %dma_start3A_15 = tpu.memref_slice %arg4[%dma_start3A_13, %dma_start3A_14] : memref<100000x128xf32, #tpu.memory_space<hbm>> -> memref<100000x128xf32, #tpu.memory_space<hbm>>
    tpu.enqueue_indirect_dma source(%dma_start3A_15 : memref<100000x128xf32, #tpu.memory_space<hbm>>) target(%arg11 : memref<128x128xf32, #tpu.memory_space<vmem>>) offsets(%dma_start3A_12 : memref<128xi32, #tpu.memory_space<vmem>>) semaphore(%arg18 : memref<!tpu.dma_semaphore, #tpu.memory_space<semaphore_mem>>)
    %dma_start3A_16 = arith.constant 2 : i32
    %dma_start3A_17 = arith.constant 0 : i32
    %dma_start3A_18 = tpu.memref_slice %arg8[%dma_start3A_16, %dma_start3A_17] : memref<4x128xi32, #tpu.memory_space<vmem>> -> memref<1x128xi32, #tpu.memory_space<vmem>>
    %dma_start3A_19 = tpu.memref_squeeze %dma_start3A_18 : memref<1x128xi32, #tpu.memory_space<vmem>> -> memref<128xi32, #tpu.memory_space<vmem>>
    %dma_start3A_20 = arith.constant 0 : i32
    %dma_start3A_21 = arith.constant 0 : i32
    %dma_start3A_22 = tpu.memref_slice %arg4[%dma_start3A_20, %dma_start3A_21] : memref<100000x128xf32, #tpu.memory_space<hbm>> -> memref<100000x128xf32, #tpu.memory_space<hbm>>
    tpu.enqueue_indirect_dma source(%dma_start3A_22 : memref<100000x128xf32, #tpu.memory_space<hbm>>) target(%arg12 : memref<128x128xf32, #tpu.memory_space<vmem>>) offsets(%dma_start3A_19 : memref<128xi32, #tpu.memory_space<vmem>>) semaphore(%arg19 : memref<!tpu.dma_semaphore, #tpu.memory_space<semaphore_mem>>)
    %dma_start3A_23 = arith.constant 3 : i32
    %dma_start3A_24 = arith.constant 0 : i32
    %dma_start3A_25 = tpu.memref_slice %arg8[%dma_start3A_23, %dma_start3A_24] : memref<4x128xi32, #tpu.memory_space<vmem>> -> memref<1x128xi32, #tpu.memory_space<vmem>>
    %dma_start3A_26 = tpu.memref_squeeze %dma_start3A_25 : memref<1x128xi32, #tpu.memory_space<vmem>> -> memref<128xi32, #tpu.memory_space<vmem>>
    %dma_start3A_27 = arith.constant 0 : i32
    %dma_start3A_28 = arith.constant 0 : i32
    %dma_start3A_29 = tpu.memref_slice %arg4[%dma_start3A_27, %dma_start3A_28] : memref<100000x128xf32, #tpu.memory_space<hbm>> -> memref<100000x128xf32, #tpu.memory_space<hbm>>
    tpu.enqueue_indirect_dma source(%dma_start3A_29 : memref<100000x128xf32, #tpu.memory_space<hbm>>) target(%arg13 : memref<128x128xf32, #tpu.memory_space<vmem>>) offsets(%dma_start3A_26 : memref<128xi32, #tpu.memory_space<vmem>>) semaphore(%arg20 : memref<!tpu.dma_semaphore, #tpu.memory_space<semaphore_mem>>)
    %dma_start3A_30 = arith.constant 0 : i32
    %dma_start3A_31 = arith.constant 0 : i32
    %dma_start3A_32 = tpu.memref_slice %arg9[%dma_start3A_30, %dma_start3A_31] : memref<4x128xi32, #tpu.memory_space<vmem>> -> memref<1x128xi32, #tpu.memory_space<vmem>>
    %dma_start3A_33 = tpu.memref_squeeze %dma_start3A_32 : memref<1x128xi32, #tpu.memory_space<vmem>> -> memref<128xi32, #tpu.memory_space<vmem>>
    %dma_start3A_34 = arith.constant 0 : i32
    %dma_start3A_35 = arith.constant 0 : i32
    %dma_start3A_36 = tpu.memref_slice %arg5[%dma_start3A_34, %dma_start3A_35] : memref<100000x128xf32, #tpu.memory_space<hbm>> -> memref<100000x128xf32, #tpu.memory_space<hbm>>
    tpu.enqueue_indirect_dma source(%dma_start3A_36 : memref<100000x128xf32, #tpu.memory_space<hbm>>) target(%arg14 : memref<128x128xf32, #tpu.memory_space<vmem>>) offsets(%dma_start3A_33 : memref<128xi32, #tpu.memory_space<vmem>>) semaphore(%arg21 : memref<!tpu.dma_semaphore, #tpu.memory_space<semaphore_mem>>)
    %dma_start3A_37 = arith.constant 1 : i32
    %dma_start3A_38 = arith.constant 0 : i32
    %dma_start3A_39 = tpu.memref_slice %arg9[%dma_start3A_37, %dma_start3A_38] : memref<4x128xi32, #tpu.memory_space<vmem>> -> memref<1x128xi32, #tpu.memory_space<vmem>>
    %dma_start3A_40 = tpu.memref_squeeze %dma_start3A_39 : memref<1x128xi32, #tpu.memory_space<vmem>> -> memref<128xi32, #tpu.memory_space<vmem>>
    %dma_start3A_41 = arith.constant 0 : i32
    %dma_start3A_42 = arith.constant 0 : i32
    %dma_start3A_43 = tpu.memref_slice %arg5[%dma_start3A_41, %dma_start3A_42] : memref<100000x128xf32, #tpu.memory_space<hbm>> -> memref<100000x128xf32, #tpu.memory_space<hbm>>
    tpu.enqueue_indirect_dma source(%dma_start3A_43 : memref<100000x128xf32, #tpu.memory_space<hbm>>) target(%arg15 : memref<128x128xf32, #tpu.memory_space<vmem>>) offsets(%dma_start3A_40 : memref<128xi32, #tpu.memory_space<vmem>>) semaphore(%arg22 : memref<!tpu.dma_semaphore, #tpu.memory_space<semaphore_mem>>)
    %dma_start3A_44 = arith.constant 2 : i32
    %dma_start3A_45 = arith.constant 0 : i32
    %dma_start3A_46 = tpu.memref_slice %arg9[%dma_start3A_44, %dma_start3A_45] : memref<4x128xi32, #tpu.memory_space<vmem>> -> memref<1x128xi32, #tpu.memory_space<vmem>>
    %dma_start3A_47 = tpu.memref_squeeze %dma_start3A_46 : memref<1x128xi32, #tpu.memory_space<vmem>> -> memref<128xi32, #tpu.memory_space<vmem>>
    %dma_start3A_48 = arith.constant 0 : i32
    %dma_start3A_49 = arith.constant 0 : i32
    %dma_start3A_50 = tpu.memref_slice %arg5[%dma_start3A_48, %dma_start3A_49] : memref<100000x128xf32, #tpu.memory_space<hbm>> -> memref<100000x128xf32, #tpu.memory_space<hbm>>
    tpu.enqueue_indirect_dma source(%dma_start3A_50 : memref<100000x128xf32, #tpu.memory_space<hbm>>) target(%arg16 : memref<128x128xf32, #tpu.memory_space<vmem>>) offsets(%dma_start3A_47 : memref<128xi32, #tpu.memory_space<vmem>>) semaphore(%arg23 : memref<!tpu.dma_semaphore, #tpu.memory_space<semaphore_mem>>)
    %dma_wait3A = arith.constant 0 : i32
    %dma_wait3A_51 = arith.constant 0 : i32
    %dma_wait3A_52 = tpu.memref_slice %arg8[%dma_wait3A, %dma_wait3A_51] : memref<4x128xi32, #tpu.memory_space<vmem>> -> memref<1x128xi32, #tpu.memory_space<vmem>>
    %dma_wait3A_53 = tpu.memref_squeeze %dma_wait3A_52 : memref<1x128xi32, #tpu.memory_space<vmem>> -> memref<128xi32, #tpu.memory_space<vmem>>
    %dma_wait3A_54 = arith.constant 0 : i32
    %dma_wait3A_55 = arith.constant 0 : i32
    %dma_wait3A_56 = tpu.memref_slice %arg4[%dma_wait3A_54, %dma_wait3A_55] : memref<100000x128xf32, #tpu.memory_space<hbm>> -> memref<100000x128xf32, #tpu.memory_space<hbm>>
    tpu.wait_indirect_dma semaphore(%arg17 : memref<!tpu.dma_semaphore, #tpu.memory_space<semaphore_mem>>) src(%dma_wait3A_56 : memref<100000x128xf32, #tpu.memory_space<hbm>>) dst(%arg10 : memref<128x128xf32, #tpu.memory_space<vmem>>)
    %add3A_57 = arith.constant 0 : i32
    %add3A_58 = arith.addi %mul3A_2, %add3A_57 : i32
    %dma_start3A_59 = arith.constant 0 : i32
    %dma_start3A_60 = tpu.memref_slice %arg6[%add3A_58, %dma_start3A_59] : memref<16384x128xf32, #tpu.memory_space<hbm>> -> memref<128x128xf32, #tpu.memory_space<hbm>>
    %dma_start3A_61 = arith.constant 0 : i32
    %dma_start3A_62 = tpu.memref_slice %arg6[%add3A_58, %dma_start3A_61] : memref<16384x128xf32, #tpu.memory_space<hbm>> -> memref<128x128xf32, #tpu.memory_space<hbm>>
    tpu.enqueue_dma source(%arg10 : memref<128x128xf32, #tpu.memory_space<vmem>>) target(%dma_start3A_62 : memref<128x128xf32, #tpu.memory_space<hbm>>) target_semaphore(%arg24 : memref<!tpu.dma_semaphore, #tpu.memory_space<semaphore_mem>>)
    %dma_wait3A_63 = arith.constant 0 : i32
    %dma_wait3A_64 = tpu.memref_slice %arg6[%add3A_58, %dma_wait3A_63] : memref<16384x128xf32, #tpu.memory_space<hbm>> -> memref<128x128xf32, #tpu.memory_space<hbm>>
    %dma_wait3A_65 = arith.constant 0 : i32
    %dma_wait3A_66 = tpu.memref_slice %arg6[%add3A_58, %dma_wait3A_65] : memref<16384x128xf32, #tpu.memory_space<hbm>> -> memref<128x128xf32, #tpu.memory_space<hbm>>
    tpu.wait_dma2 semaphore(%arg24 : memref<!tpu.dma_semaphore, #tpu.memory_space<semaphore_mem>>) src(%arg10 : memref<128x128xf32, #tpu.memory_space<vmem>>) dst(%dma_wait3A_66 : memref<128x128xf32, #tpu.memory_space<hbm>>)
    %dma_start3A_67 = arith.constant 3 : i32
    %dma_start3A_68 = arith.constant 0 : i32
    %dma_start3A_69 = tpu.memref_slice %arg9[%dma_start3A_67, %dma_start3A_68] : memref<4x128xi32, #tpu.memory_space<vmem>> -> memref<1x128xi32, #tpu.memory_space<vmem>>
    %dma_start3A_70 = tpu.memref_squeeze %dma_start3A_69 : memref<1x128xi32, #tpu.memory_space<vmem>> -> memref<128xi32, #tpu.memory_space<vmem>>
    %dma_start3A_71 = arith.constant 0 : i32
    %dma_start3A_72 = arith.constant 0 : i32
    %dma_start3A_73 = tpu.memref_slice %arg5[%dma_start3A_71, %dma_start3A_72] : memref<100000x128xf32, #tpu.memory_space<hbm>> -> memref<100000x128xf32, #tpu.memory_space<hbm>>
    tpu.enqueue_indirect_dma source(%dma_start3A_73 : memref<100000x128xf32, #tpu.memory_space<hbm>>) target(%arg10 : memref<128x128xf32, #tpu.memory_space<vmem>>) offsets(%dma_start3A_70 : memref<128xi32, #tpu.memory_space<vmem>>) semaphore(%arg17 : memref<!tpu.dma_semaphore, #tpu.memory_space<semaphore_mem>>)
    %dma_wait3A_74 = arith.constant 1 : i32
    %dma_wait3A_75 = arith.constant 0 : i32
    %dma_wait3A_76 = tpu.memref_slice %arg8[%dma_wait3A_74, %dma_wait3A_75] : memref<4x128xi32, #tpu.memory_space<vmem>> -> memref<1x128xi32, #tpu.memory_space<vmem>>
    %dma_wait3A_77 = tpu.memref_squeeze %dma_wait3A_76 : memref<1x128xi32, #tpu.memory_space<vmem>> -> memref<128xi32, #tpu.memory_space<vmem>>
    %dma_wait3A_78 = arith.constant 0 : i32
    %dma_wait3A_79 = arith.constant 0 : i32
    %dma_wait3A_80 = tpu.memref_slice %arg4[%dma_wait3A_78, %dma_wait3A_79] : memref<100000x128xf32, #tpu.memory_space<hbm>> -> memref<100000x128xf32, #tpu.memory_space<hbm>>
    tpu.wait_indirect_dma semaphore(%arg18 : memref<!tpu.dma_semaphore, #tpu.memory_space<semaphore_mem>>) src(%dma_wait3A_80 : memref<100000x128xf32, #tpu.memory_space<hbm>>) dst(%arg11 : memref<128x128xf32, #tpu.memory_space<vmem>>)
    %add3A_81 = arith.constant 128 : i32
    %add3A_82 = arith.addi %mul3A_2, %add3A_81 : i32
    %dma_start3A_83 = arith.constant 0 : i32
    %dma_start3A_84 = tpu.memref_slice %arg6[%add3A_82, %dma_start3A_83] : memref<16384x128xf32, #tpu.memory_space<hbm>> -> memref<128x128xf32, #tpu.memory_space<hbm>>
    %dma_start3A_85 = arith.constant 0 : i32
    %dma_start3A_86 = tpu.memref_slice %arg6[%add3A_82, %dma_start3A_85] : memref<16384x128xf32, #tpu.memory_space<hbm>> -> memref<128x128xf32, #tpu.memory_space<hbm>>
    tpu.enqueue_dma source(%arg11 : memref<128x128xf32, #tpu.memory_space<vmem>>) target(%dma_start3A_86 : memref<128x128xf32, #tpu.memory_space<hbm>>) target_semaphore(%arg25 : memref<!tpu.dma_semaphore, #tpu.memory_space<semaphore_mem>>)
    %dma_wait3A_87 = arith.constant 2 : i32
    %dma_wait3A_88 = arith.constant 0 : i32
    %dma_wait3A_89 = tpu.memref_slice %arg8[%dma_wait3A_87, %dma_wait3A_88] : memref<4x128xi32, #tpu.memory_space<vmem>> -> memref<1x128xi32, #tpu.memory_space<vmem>>
    %dma_wait3A_90 = tpu.memref_squeeze %dma_wait3A_89 : memref<1x128xi32, #tpu.memory_space<vmem>> -> memref<128xi32, #tpu.memory_space<vmem>>
    %dma_wait3A_91 = arith.constant 0 : i32
    %dma_wait3A_92 = arith.constant 0 : i32
    %dma_wait3A_93 = tpu.memref_slice %arg4[%dma_wait3A_91, %dma_wait3A_92] : memref<100000x128xf32, #tpu.memory_space<hbm>> -> memref<100000x128xf32, #tpu.memory_space<hbm>>
    tpu.wait_indirect_dma semaphore(%arg19 : memref<!tpu.dma_semaphore, #tpu.memory_space<semaphore_mem>>) src(%dma_wait3A_93 : memref<100000x128xf32, #tpu.memory_space<hbm>>) dst(%arg12 : memref<128x128xf32, #tpu.memory_space<vmem>>)
    %add3A_94 = arith.constant 256 : i32
    %add3A_95 = arith.addi %mul3A_2, %add3A_94 : i32
    %dma_start3A_96 = arith.constant 0 : i32
    %dma_start3A_97 = tpu.memref_slice %arg6[%add3A_95, %dma_start3A_96] : memref<16384x128xf32, #tpu.memory_space<hbm>> -> memref<128x128xf32, #tpu.memory_space<hbm>>
    %dma_start3A_98 = arith.constant 0 : i32
    %dma_start3A_99 = tpu.memref_slice %arg6[%add3A_95, %dma_start3A_98] : memref<16384x128xf32, #tpu.memory_space<hbm>> -> memref<128x128xf32, #tpu.memory_space<hbm>>
    tpu.enqueue_dma source(%arg12 : memref<128x128xf32, #tpu.memory_space<vmem>>) target(%dma_start3A_99 : memref<128x128xf32, #tpu.memory_space<hbm>>) target_semaphore(%arg26 : memref<!tpu.dma_semaphore, #tpu.memory_space<semaphore_mem>>)
    %dma_wait3A_100 = arith.constant 3 : i32
    %dma_wait3A_101 = arith.constant 0 : i32
    %dma_wait3A_102 = tpu.memref_slice %arg8[%dma_wait3A_100, %dma_wait3A_101] : memref<4x128xi32, #tpu.memory_space<vmem>> -> memref<1x128xi32, #tpu.memory_space<vmem>>
    %dma_wait3A_103 = tpu.memref_squeeze %dma_wait3A_102 : memref<1x128xi32, #tpu.memory_space<vmem>> -> memref<128xi32, #tpu.memory_space<vmem>>
    %dma_wait3A_104 = arith.constant 0 : i32
    %dma_wait3A_105 = arith.constant 0 : i32
    %dma_wait3A_106 = tpu.memref_slice %arg4[%dma_wait3A_104, %dma_wait3A_105] : memref<100000x128xf32, #tpu.memory_space<hbm>> -> memref<100000x128xf32, #tpu.memory_space<hbm>>
    tpu.wait_indirect_dma semaphore(%arg20 : memref<!tpu.dma_semaphore, #tpu.memory_space<semaphore_mem>>) src(%dma_wait3A_106 : memref<100000x128xf32, #tpu.memory_space<hbm>>) dst(%arg13 : memref<128x128xf32, #tpu.memory_space<vmem>>)
    %add3A_107 = arith.constant 384 : i32
    %add3A_108 = arith.addi %mul3A_2, %add3A_107 : i32
    %dma_start3A_109 = arith.constant 0 : i32
    %dma_start3A_110 = tpu.memref_slice %arg6[%add3A_108, %dma_start3A_109] : memref<16384x128xf32, #tpu.memory_space<hbm>> -> memref<128x128xf32, #tpu.memory_space<hbm>>
    %dma_start3A_111 = arith.constant 0 : i32
    %dma_start3A_112 = tpu.memref_slice %arg6[%add3A_108, %dma_start3A_111] : memref<16384x128xf32, #tpu.memory_space<hbm>> -> memref<128x128xf32, #tpu.memory_space<hbm>>
    tpu.enqueue_dma source(%arg13 : memref<128x128xf32, #tpu.memory_space<vmem>>) target(%dma_start3A_112 : memref<128x128xf32, #tpu.memory_space<hbm>>) target_semaphore(%arg27 : memref<!tpu.dma_semaphore, #tpu.memory_space<semaphore_mem>>)
    %dma_wait3A_113 = arith.constant 0 : i32
    %dma_wait3A_114 = arith.constant 0 : i32
    %dma_wait3A_115 = tpu.memref_slice %arg9[%dma_wait3A_113, %dma_wait3A_114] : memref<4x128xi32, #tpu.memory_space<vmem>> -> memref<1x128xi32, #tpu.memory_space<vmem>>
    %dma_wait3A_116 = tpu.memref_squeeze %dma_wait3A_115 : memref<1x128xi32, #tpu.memory_space<vmem>> -> memref<128xi32, #tpu.memory_space<vmem>>
    %dma_wait3A_117 = arith.constant 0 : i32
    %dma_wait3A_118 = arith.constant 0 : i32
    %dma_wait3A_119 = tpu.memref_slice %arg5[%dma_wait3A_117, %dma_wait3A_118] : memref<100000x128xf32, #tpu.memory_space<hbm>> -> memref<100000x128xf32, #tpu.memory_space<hbm>>
    tpu.wait_indirect_dma semaphore(%arg21 : memref<!tpu.dma_semaphore, #tpu.memory_space<semaphore_mem>>) src(%dma_wait3A_119 : memref<100000x128xf32, #tpu.memory_space<hbm>>) dst(%arg14 : memref<128x128xf32, #tpu.memory_space<vmem>>)
    %add3A_120 = arith.constant 0 : i32
    %add3A_121 = arith.addi %mul3A_2, %add3A_120 : i32
    %dma_start3A_122 = arith.constant 0 : i32
    %dma_start3A_123 = tpu.memref_slice %arg7[%add3A_121, %dma_start3A_122] : memref<16384x128xf32, #tpu.memory_space<hbm>> -> memref<128x128xf32, #tpu.memory_space<hbm>>
    %dma_start3A_124 = arith.constant 0 : i32
    %dma_start3A_125 = tpu.memref_slice %arg7[%add3A_121, %dma_start3A_124] : memref<16384x128xf32, #tpu.memory_space<hbm>> -> memref<128x128xf32, #tpu.memory_space<hbm>>
    tpu.enqueue_dma source(%arg14 : memref<128x128xf32, #tpu.memory_space<vmem>>) target(%dma_start3A_125 : memref<128x128xf32, #tpu.memory_space<hbm>>) target_semaphore(%arg28 : memref<!tpu.dma_semaphore, #tpu.memory_space<semaphore_mem>>)
    %dma_wait3A_126 = arith.constant 1 : i32
    %dma_wait3A_127 = arith.constant 0 : i32
    %dma_wait3A_128 = tpu.memref_slice %arg9[%dma_wait3A_126, %dma_wait3A_127] : memref<4x128xi32, #tpu.memory_space<vmem>> -> memref<1x128xi32, #tpu.memory_space<vmem>>
    %dma_wait3A_129 = tpu.memref_squeeze %dma_wait3A_128 : memref<1x128xi32, #tpu.memory_space<vmem>> -> memref<128xi32, #tpu.memory_space<vmem>>
    %dma_wait3A_130 = arith.constant 0 : i32
    %dma_wait3A_131 = arith.constant 0 : i32
    %dma_wait3A_132 = tpu.memref_slice %arg5[%dma_wait3A_130, %dma_wait3A_131] : memref<100000x128xf32, #tpu.memory_space<hbm>> -> memref<100000x128xf32, #tpu.memory_space<hbm>>
    tpu.wait_indirect_dma semaphore(%arg22 : memref<!tpu.dma_semaphore, #tpu.memory_space<semaphore_mem>>) src(%dma_wait3A_132 : memref<100000x128xf32, #tpu.memory_space<hbm>>) dst(%arg15 : memref<128x128xf32, #tpu.memory_space<vmem>>)
    %add3A_133 = arith.constant 128 : i32
    %add3A_134 = arith.addi %mul3A_2, %add3A_133 : i32
    %dma_start3A_135 = arith.constant 0 : i32
    %dma_start3A_136 = tpu.memref_slice %arg7[%add3A_134, %dma_start3A_135] : memref<16384x128xf32, #tpu.memory_space<hbm>> -> memref<128x128xf32, #tpu.memory_space<hbm>>
    %dma_start3A_137 = arith.constant 0 : i32
    %dma_start3A_138 = tpu.memref_slice %arg7[%add3A_134, %dma_start3A_137] : memref<16384x128xf32, #tpu.memory_space<hbm>> -> memref<128x128xf32, #tpu.memory_space<hbm>>
    tpu.enqueue_dma source(%arg15 : memref<128x128xf32, #tpu.memory_space<vmem>>) target(%dma_start3A_138 : memref<128x128xf32, #tpu.memory_space<hbm>>) target_semaphore(%arg29 : memref<!tpu.dma_semaphore, #tpu.memory_space<semaphore_mem>>)
    %dma_wait3A_139 = arith.constant 2 : i32
    %dma_wait3A_140 = arith.constant 0 : i32
    %dma_wait3A_141 = tpu.memref_slice %arg9[%dma_wait3A_139, %dma_wait3A_140] : memref<4x128xi32, #tpu.memory_space<vmem>> -> memref<1x128xi32, #tpu.memory_space<vmem>>
    %dma_wait3A_142 = tpu.memref_squeeze %dma_wait3A_141 : memref<1x128xi32, #tpu.memory_space<vmem>> -> memref<128xi32, #tpu.memory_space<vmem>>
    %dma_wait3A_143 = arith.constant 0 : i32
    %dma_wait3A_144 = arith.constant 0 : i32
    %dma_wait3A_145 = tpu.memref_slice %arg5[%dma_wait3A_143, %dma_wait3A_144] : memref<100000x128xf32, #tpu.memory_space<hbm>> -> memref<100000x128xf32, #tpu.memory_space<hbm>>
    tpu.wait_indirect_dma semaphore(%arg23 : memref<!tpu.dma_semaphore, #tpu.memory_space<semaphore_mem>>) src(%dma_wait3A_145 : memref<100000x128xf32, #tpu.memory_space<hbm>>) dst(%arg16 : memref<128x128xf32, #tpu.memory_space<vmem>>)
    %add3A_146 = arith.constant 256 : i32
    %add3A_147 = arith.addi %mul3A_2, %add3A_146 : i32
    %dma_start3A_148 = arith.constant 0 : i32
    %dma_start3A_149 = tpu.memref_slice %arg7[%add3A_147, %dma_start3A_148] : memref<16384x128xf32, #tpu.memory_space<hbm>> -> memref<128x128xf32, #tpu.memory_space<hbm>>
    %dma_start3A_150 = arith.constant 0 : i32
    %dma_start3A_151 = tpu.memref_slice %arg7[%add3A_147, %dma_start3A_150] : memref<16384x128xf32, #tpu.memory_space<hbm>> -> memref<128x128xf32, #tpu.memory_space<hbm>>
    tpu.enqueue_dma source(%arg16 : memref<128x128xf32, #tpu.memory_space<vmem>>) target(%dma_start3A_151 : memref<128x128xf32, #tpu.memory_space<hbm>>) target_semaphore(%arg30 : memref<!tpu.dma_semaphore, #tpu.memory_space<semaphore_mem>>)
    %dma_wait3A_152 = arith.constant 3 : i32
    %dma_wait3A_153 = arith.constant 0 : i32
    %dma_wait3A_154 = tpu.memref_slice %arg9[%dma_wait3A_152, %dma_wait3A_153] : memref<4x128xi32, #tpu.memory_space<vmem>> -> memref<1x128xi32, #tpu.memory_space<vmem>>
    %dma_wait3A_155 = tpu.memref_squeeze %dma_wait3A_154 : memref<1x128xi32, #tpu.memory_space<vmem>> -> memref<128xi32, #tpu.memory_space<vmem>>
    %dma_wait3A_156 = arith.constant 0 : i32
    %dma_wait3A_157 = arith.constant 0 : i32
    %dma_wait3A_158 = tpu.memref_slice %arg5[%dma_wait3A_156, %dma_wait3A_157] : memref<100000x128xf32, #tpu.memory_space<hbm>> -> memref<100000x128xf32, #tpu.memory_space<hbm>>
    tpu.wait_indirect_dma semaphore(%arg17 : memref<!tpu.dma_semaphore, #tpu.memory_space<semaphore_mem>>) src(%dma_wait3A_158 : memref<100000x128xf32, #tpu.memory_space<hbm>>) dst(%arg10 : memref<128x128xf32, #tpu.memory_space<vmem>>)
    %add3A_159 = arith.constant 384 : i32
    %add3A_160 = arith.addi %mul3A_2, %add3A_159 : i32
    %dma_start3A_161 = arith.constant 0 : i32
    %dma_start3A_162 = tpu.memref_slice %arg7[%add3A_160, %dma_start3A_161] : memref<16384x128xf32, #tpu.memory_space<hbm>> -> memref<128x128xf32, #tpu.memory_space<hbm>>
    %dma_start3A_163 = arith.constant 0 : i32
    %dma_start3A_164 = tpu.memref_slice %arg7[%add3A_160, %dma_start3A_163] : memref<16384x128xf32, #tpu.memory_space<hbm>> -> memref<128x128xf32, #tpu.memory_space<hbm>>
    tpu.enqueue_dma source(%arg10 : memref<128x128xf32, #tpu.memory_space<vmem>>) target(%dma_start3A_164 : memref<128x128xf32, #tpu.memory_space<hbm>>) target_semaphore(%arg24 : memref<!tpu.dma_semaphore, #tpu.memory_space<semaphore_mem>>)
    %dma_wait3A_165 = arith.constant 0 : i32
    %dma_wait3A_166 = tpu.memref_slice %arg6[%add3A_82, %dma_wait3A_165] : memref<16384x128xf32, #tpu.memory_space<hbm>> -> memref<128x128xf32, #tpu.memory_space<hbm>>
    %dma_wait3A_167 = arith.constant 0 : i32
    %dma_wait3A_168 = tpu.memref_slice %arg6[%add3A_82, %dma_wait3A_167] : memref<16384x128xf32, #tpu.memory_space<hbm>> -> memref<128x128xf32, #tpu.memory_space<hbm>>
    tpu.wait_dma2 semaphore(%arg25 : memref<!tpu.dma_semaphore, #tpu.memory_space<semaphore_mem>>) src(%arg11 : memref<128x128xf32, #tpu.memory_space<vmem>>) dst(%dma_wait3A_168 : memref<128x128xf32, #tpu.memory_space<hbm>>)
    %dma_wait3A_169 = arith.constant 0 : i32
    %dma_wait3A_170 = tpu.memref_slice %arg6[%add3A_95, %dma_wait3A_169] : memref<16384x128xf32, #tpu.memory_space<hbm>> -> memref<128x128xf32, #tpu.memory_space<hbm>>
    %dma_wait3A_171 = arith.constant 0 : i32
    %dma_wait3A_172 = tpu.memref_slice %arg6[%add3A_95, %dma_wait3A_171] : memref<16384x128xf32, #tpu.memory_space<hbm>> -> memref<128x128xf32, #tpu.memory_space<hbm>>
    tpu.wait_dma2 semaphore(%arg26 : memref<!tpu.dma_semaphore, #tpu.memory_space<semaphore_mem>>) src(%arg12 : memref<128x128xf32, #tpu.memory_space<vmem>>) dst(%dma_wait3A_172 : memref<128x128xf32, #tpu.memory_space<hbm>>)
    %dma_wait3A_173 = arith.constant 0 : i32
    %dma_wait3A_174 = tpu.memref_slice %arg6[%add3A_108, %dma_wait3A_173] : memref<16384x128xf32, #tpu.memory_space<hbm>> -> memref<128x128xf32, #tpu.memory_space<hbm>>
    %dma_wait3A_175 = arith.constant 0 : i32
    %dma_wait3A_176 = tpu.memref_slice %arg6[%add3A_108, %dma_wait3A_175] : memref<16384x128xf32, #tpu.memory_space<hbm>> -> memref<128x128xf32, #tpu.memory_space<hbm>>
    tpu.wait_dma2 semaphore(%arg27 : memref<!tpu.dma_semaphore, #tpu.memory_space<semaphore_mem>>) src(%arg13 : memref<128x128xf32, #tpu.memory_space<vmem>>) dst(%dma_wait3A_176 : memref<128x128xf32, #tpu.memory_space<hbm>>)
    %dma_wait3A_177 = arith.constant 0 : i32
    %dma_wait3A_178 = tpu.memref_slice %arg7[%add3A_121, %dma_wait3A_177] : memref<16384x128xf32, #tpu.memory_space<hbm>> -> memref<128x128xf32, #tpu.memory_space<hbm>>
    %dma_wait3A_179 = arith.constant 0 : i32
    %dma_wait3A_180 = tpu.memref_slice %arg7[%add3A_121, %dma_wait3A_179] : memref<16384x128xf32, #tpu.memory_space<hbm>> -> memref<128x128xf32, #tpu.memory_space<hbm>>
    tpu.wait_dma2 semaphore(%arg28 : memref<!tpu.dma_semaphore, #tpu.memory_space<semaphore_mem>>) src(%arg14 : memref<128x128xf32, #tpu.memory_space<vmem>>) dst(%dma_wait3A_180 : memref<128x128xf32, #tpu.memory_space<hbm>>)
    %dma_wait3A_181 = arith.constant 0 : i32
    %dma_wait3A_182 = tpu.memref_slice %arg7[%add3A_134, %dma_wait3A_181] : memref<16384x128xf32, #tpu.memory_space<hbm>> -> memref<128x128xf32, #tpu.memory_space<hbm>>
    %dma_wait3A_183 = arith.constant 0 : i32
    %dma_wait3A_184 = tpu.memref_slice %arg7[%add3A_134, %dma_wait3A_183] : memref<16384x128xf32, #tpu.memory_space<hbm>> -> memref<128x128xf32, #tpu.memory_space<hbm>>
    tpu.wait_dma2 semaphore(%arg29 : memref<!tpu.dma_semaphore, #tpu.memory_space<semaphore_mem>>) src(%arg15 : memref<128x128xf32, #tpu.memory_space<vmem>>) dst(%dma_wait3A_184 : memref<128x128xf32, #tpu.memory_space<hbm>>)
    %dma_wait3A_185 = arith.constant 0 : i32
    %dma_wait3A_186 = tpu.memref_slice %arg7[%add3A_147, %dma_wait3A_185] : memref<16384x128xf32, #tpu.memory_space<hbm>> -> memref<128x128xf32, #tpu.memory_space<hbm>>
    %dma_wait3A_187 = arith.constant 0 : i32
    %dma_wait3A_188 = tpu.memref_slice %arg7[%add3A_147, %dma_wait3A_187] : memref<16384x128xf32, #tpu.memory_space<hbm>> -> memref<128x128xf32, #tpu.memory_space<hbm>>
    tpu.wait_dma2 semaphore(%arg30 : memref<!tpu.dma_semaphore, #tpu.memory_space<semaphore_mem>>) src(%arg16 : memref<128x128xf32, #tpu.memory_space<vmem>>) dst(%dma_wait3A_188 : memref<128x128xf32, #tpu.memory_space<hbm>>)
    %dma_wait3A_189 = arith.constant 0 : i32
    %dma_wait3A_190 = tpu.memref_slice %arg7[%add3A_160, %dma_wait3A_189] : memref<16384x128xf32, #tpu.memory_space<hbm>> -> memref<128x128xf32, #tpu.memory_space<hbm>>
    %dma_wait3A_191 = arith.constant 0 : i32
    %dma_wait3A_192 = tpu.memref_slice %arg7[%add3A_160, %dma_wait3A_191] : memref<16384x128xf32, #tpu.memory_space<hbm>> -> memref<128x128xf32, #tpu.memory_space<hbm>>
    tpu.wait_dma2 semaphore(%arg24 : memref<!tpu.dma_semaphore, #tpu.memory_space<semaphore_mem>>) src(%arg10 : memref<128x128xf32, #tpu.memory_space<vmem>>) dst(%dma_wait3A_192 : memref<128x128xf32, #tpu.memory_space<hbm>>)
    return
  }
}

</mosaic_0001>

<sc_bundles>
// kernel: kernel.3.cloned.1.call-start
scs
__scs_entry_jumppad:
0x0: {  	(pc) =	sbr.rel $0x88, $3  }
0x1: {  	(tag) =	ssettag $0x0;
	lr =	simm.s32 $0x1  }
0x2: {  	[smem:$0x3F9D] =	sst lr;
	_ =	strace $0xD0000000  }
0x3: {  	_ = 	snop  }
0x4: {  	_ = 	snop  }
0x5: {  	_ = 	snop  }
0x6: {  	_ = 	snop  }
0x7: {  	_ = 	snop  }
__scs_overlays_trampoline_lowered:
0x8: {  	[smem:$0x3FAC] =	sst s0  }
0x9: {  	[smem:$0x3FAD] =	sst s1  }
0xa: {  	[smem:$0x3FAE] =	sst s2  }
0xb: {  	[smem:$0x3FAF] =	sst s3  }
0xc: {  	[smem:$0x3FB0] =	sst s4  }
0xd: {  	[smem:$0x3FB1] =	sst s5  }
0xe: {  	[smem:$0x3FB2] =	sst s6  }
0xf: {  	[smem:$0x3FB3] =	sst s7  }
0x10: {  	[smem:$0x3FB4] =	sst s8  }
0x11: {  	[smem:$0x3FB5] =	sst s9;
	s0 =	simm.s32 @!p0 $0x0  }
0x12: {  	s1 =	sld [smem:$0x3F9B];
	s0 =	simm.s32 @p0 $0x1  }
0x13: {  	[smem:$0x3FB6] =	sst s0;
	s0 =	simm.s32 @!p1 $0x0  }
0x14: {  	s2 =	sld [smem:$0x3F9A];
	s0 =	simm.s32 @p1 $0x1  }
0x15: {  	[smem:$0x3FB7] =	sst s0;
	s0 =	simm.s32 @!p2 $0x0  }
0x16: {  	s3 =	sld [smem:$0x3FDB];
	s0 =	simm.s32 @p2 $0x1  }
0x17: {  	s4 =	simm.s32 $0x1BF5;
	[smem:$0x3FB9] =	sst s0  }
0x18: {  	s0 =	sld [smem:$0x3F9C];
	_ =	swait.ge [sflag:s4], $0x0  }
0x19: {  	s7 =	sld [smem:$0x3F9D]  }
0x1a: {  	s8 =	sadd.s32 $0xFFFFE003, lr  }
0x1b: {  	s9 =	sadd.s32 $0xFFFFFEF7, lr;
	s5 =	simm.s32 $0xFFFFFFFF;
	p2 =	slt.u32 s8, $0xFFFFF086  }
0x1c: {  	p1 =	slt.u32 s9, $0xF7A;
	s5 =	simm.s32 @!p2 $0x0  }
0x1d: {  	s5 =	simm.s32 @p1 $0x1;
	p0 =	seq.s32 s7, s2  }
0x1e: {  	s7 =	smul.u32 @!p0 $0xF7A, s2;
	p2 =	seq.s32 @!p0 s5, $0x0  }
0x1f: {  	s9 =	smul.u32 $0xF7A, s1;
	s8 =	simm.s32 @!p0 $0x1BF5;
	p2 =	por !p2, p0  }
0x20: {  	[sflag:s8] =	ssyncset.s32 @!p0 $0xFFFFF086;
	s6 =	sadd.s32 @!p0 s3, s7;
	s7 =	simm.s32 @!p0 $0x108  }
0x21: {  	s3 =	sadd.s32 s3, s9;
	s6 =	sadd.s32 @!p0 $0x88, s6;
	s7 =	simm.s32 @p2 $0x1082  }
0x22: {  	[simem:s7], [sflag:s8] =	dma.local @!p0 [hbm:s6], $0xF7A  }
0x23: {  	s9 =	sor.u32 $0xD0000000, s2;
	s6 =	simm.s32 $0x108;
	_ =	swait.ge @!p0 [sflag:s8], $0x0  }
0x24: {  	s3 =	sadd.s32 $0x88, s3;
	s6 =	simm.s32 @!p1 $0x1082;
	[sflag:s4] =	ssyncset.s32 $0xFFFFF086  }
0x25: {  	[simem:s6], [sflag:s4] =	dma.local [hbm:s3], $0xF7A  }
0x26: {  	[smem:$0x3F9D] =	sst s1;
	(tag) =	ssettag s2;
	_ =	strace s9  }
0x27: {  	s1 =	sld [smem:$0x3FAD]  }
0x28: {  	s2 =	sld [smem:$0x3FAE]  }
0x29: {  	s4 =	sld [smem:$0x3FB0]  }
0x2a: {  	p0 =	seq.s32 s5, $0x0;
	s5 =	sld [smem:$0x3FB1]  }
0x2b: {  	s6 =	sld [smem:$0x3FB2]  }
0x2c: {  	s7 =	sld [smem:$0x3FB3]  }
0x2d: {  	s3 =	simm.s32 $0x108;
	s8 =	sld [smem:$0x3FB4]  }
0x2e: {  	s3 =	simm.s32 @!p0 $0x1082;
	s9 =	sld [smem:$0x3FB5]  }
0x2f: {  	lr =	sadd.s32 s0, s3;
	s0 =	sld [smem:$0x3FAC]  }
0x30: {  	s3 =	sld [smem:$0x3FAF]  }
0x31: {  	[smem:$0x3FB8] =	sst s10  }
0x32: {  	s10 =	sld [smem:$0x3FB6];
	_ =	sdelay $0x3  }
0x33: {  	p0 =	seq.s32 s10, $0x1;
	s10 =	sld [smem:$0x3FB8];
	_ =	sdelay $0x3  }
0x34: {  	[smem:$0x3FB8] =	sst s10  }
0x35: {  	s10 =	sld [smem:$0x3FB7];
	_ =	sdelay $0x3  }
0x36: {  	p1 =	seq.s32 s10, $0x1;
	s10 =	sld [smem:$0x3FB8];
	_ =	sdelay $0x3  }
0x37: {  	[smem:$0x3FB8] =	sst s10  }
0x38: {  	s10 =	sld [smem:$0x3FB9]  }
0x39: {  	_ = 	snop;
	(pc) =	sbr.ind lr, $3  }
0x3a: {  	_ = 	snop  }
0x3b: {  	_ = 	snop  }
0x3c: {  	p2 =	seq.s32 s10, $0x1;
	s10 =	sld [smem:$0x3FB8]  }
0x3d: {  	_ =	shalt  }
0x3e: {  	_ =	shalt  }
0x3f: {  	_ =	shalt  }
0x40: {  	_ =	shalt  }
0x41: {  	_ =	shalt  }
0x42: {  	_ =	shalt  }
0x43: {  	_ =	shalt  }
0x44: {  	_ =	shalt  }
0x45: {  	_ =	shalt  }
0x46: {  	_ =	shalt  }
0x47: {  	_ =	shalt  }
0x48: {  	_ =	shalt  }
0x49: {  	_ =	shalt  }
0x4a: {  	_ =	shalt  }
0x4b: {  	_ =	shalt  }
0x4c: {  	_ =	shalt  }
0x4d: {  	_ =	shalt  }
0x4e: {  	_ =	shalt  }
0x4f: {  	_ =	shalt  }
0x50: {  	_ =	shalt  }
0x51: {  	_ =	shalt  }
0x52: {  	_ =	shalt  }
0x53: {  	_ =	shalt  }
0x54: {  	_ =	shalt  }
0x55: {  	_ =	shalt  }
0x56: {  	_ =	shalt  }
0x57: {  	_ =	shalt  }
0x58: {  	_ =	shalt  }
0x59: {  	_ =	shalt  }
0x5a: {  	_ =	shalt  }
0x5b: {  	_ =	shalt  }
0x5c: {  	_ =	shalt  }
0x5d: {  	_ =	shalt  }
0x5e: {  	_ =	shalt  }
0x5f: {  	_ =	shalt  }
0x60: {  	_ =	shalt  }
0x61: {  	_ =	shalt  }
0x62: {  	_ =	shalt  }
0x63: {  	_ =	shalt  }
0x64: {  	_ =	shalt  }
0x65: {  	_ =	shalt  }
0x66: {  	_ =	shalt  }
0x67: {  	_ =	shalt  }
0x68: {  	_ =	shalt  }
0x69: {  	_ =	shalt  }
0x6a: {  	_ =	shalt  }
0x6b: {  	_ =	shalt  }
0x6c: {  	_ =	shalt  }
0x6d: {  	_ =	shalt  }
0x6e: {  	_ =	shalt  }
0x6f: {  	_ =	shalt  }
0x70: {  	_ =	shalt  }
0x71: {  	_ =	shalt  }
0x72: {  	_ =	shalt  }
0x73: {  	_ =	shalt  }
0x74: {  	_ =	shalt  }
0x75: {  	_ =	shalt  }
0x76: {  	_ =	shalt  }
0x77: {  	_ =	shalt  }
0x78: {  	_ =	shalt  }
0x79: {  	_ =	shalt  }
0x7a: {  	_ =	shalt  }
0x7b: {  	_ =	shalt  }
0x7c: {  	_ =	shalt  }
0x7d: {  	_ =	shalt  }
0x7e: {  	_ =	shalt  }
0x7f: {  	_ =	shalt  }
0x80: {  	_ =	shalt  }
0x81: {  	_ =	shalt  }
0x82: {  	_ =	shalt  }
0x83: {  	_ =	shalt  }
0x84: {  	_ =	shalt  }
0x85: {  	_ =	shalt  }
0x86: {  	_ =	shalt  }
0x87: {  	_ =	shalt  }
.Lfunc_end0:
.L_simem_size_0:
called_computation_lowered:
.L_overlay_start_0:
0x88: {  	s2 =	sld [smem:$0x3FD9]  }
0x89: {  	s3 =	sld [smem:$0x3FFE];
	_ =	sdelay $0x1  }
0x8a: {  	s1 =	srdreg.scid  }
0x8b: {  	s0 =	sand.u32 $0x1, s1  }
0x8c: {  	s15 =	sshll.u32 s0, $0xA;
	s2 =	sadd.s32 s3, s2  }
0x8d: {  	s2 =	sadd.s32 s2, s15  }
0x8e: {  	[smem:$0x3FC4] =	sst s2  }
0x8f: {  	_ = 	snop  }
0x90: {  	s2 =	sld [smem:$0x3FC9]  }
0x91: {  	s16 =	sld [smem:$0x3FD0]  }
0x92: {  	s4 =	sld [smem:$0x3FC8]  }
0x93: {  	s5 =	sld [smem:$0x3FC7]  }
0x94: {  	s7 =	simm.s32 $0xA;
	s8 =	simm.s32 $0x10;
	s6 =	sld [smem:$0x3FC6]  }
0x95: {  	[smem:s8], [sflag:s7] =	dma.local [hbm:s16], $0x1  }
0x96: {  	_ =	swait.eq [sflag:s7], $0x1  }
0x97: {  	[sflag:s7] =	ssyncset.done $0x0  }
0x98: {  	s17 =	sld [smem:$0x10];
	[sflag:s7] =	ssyncadd.s32 $0xFFFFFFFF  }
0x99: {  	s18 =	sld [smem:$0x11];
	(tm) =	ssettm $0x1  }
0x9a: {  	s19 =	sld [smem:$0x3FFB];
	_ =	sdelay $0x3  }
0x9b: {  	_ =	strace s19  }
0x9c: {  	s8 =	sld [smem:$0x3FFC];
	_ =	sdelay $0x3  }
0x9d: {  	_ =	strace s8  }
0x9e: {  	s8 =	sld [smem:$0x3FFD];
	_ =	sdelay $0x3  }
0x9f: {  	_ =	strace s8  }
0xa0: {  	_ =	strace $0x8FFFFFFF  }
0xa1: {  	s20 =	sld [smem:$0x3FDB];
	_ =	sdelay $0x1  }
0xa2: {  	s9 =	simm.s32 $_scs_section_size  }
0xa3: {  	s10 =	simm.s32 $_size__tile_overlayer_lowered;
	s11 =	simm.s32 $_tile_overlayer_lowered  }
0xa4: {  	s23 =	simm.s32 $0x1BFF;
	s22 =	sshll.u32 s11, $0x1;
	s8 =	sadd.s32 s9, s20  }
0xa5: {  	s12 =	simm.s32 $0x0;
	s21 =	sshll.u32 s10, $0x1;
	s10 =	sadd.s32 s22, s8  }
0xa6: {  	[timem:s12], [sflag:s23] =	dma.local [hbm:s10], s21  }
0xa7: {  	_ =	swait.ge [sflag:s23], s21  }
0xa8: {  	s9 =	ssub.s32 $0x0, s21;
	[sflag:s23] =	ssyncset.done $0x0  }
0xa9: {  	[sflag:s23] =	ssyncadd.s32 s9;
	_ =	sdelay $0x1  }
0xaa: {  	s24 =	simm.s32 $0x1B8B  }
0xab: {  	_ =	swait.ge [sflag:s24], $0x1  }
0xac: {  	[sflag:s24] =	ssyncset.done $0x0  }
0xad: {  	s25 =	simm.s32 $0x1B8E;
	[sflag:s24] =	ssyncadd.s32 $0xFFFFFFFF  }
0xae: {  	s26 =	simm.s32 $execute0_lowered;
	[smem:$0x3FD2] =	sst s25  }
0xaf: {  	s9 =	sshll.u32 s26, $0x1;
	_ =	strace $0x80000046;
	[dreg:$0x1] =	wrdreg $0xFFFFFFFF  }
0xb0: {  	s28 =	simm.s32 $_size_execute0_lowered;
	s8 =	sadd.s32 s8, s9;
	[dreg:$0x0] =	wrdreg $0x0  }
0xb1: {  	s9 =	sshll.u32 s28, $0x1;
	[dreg:$0x2] =	wrdreg s8  }
0xb2: {  	[dreg:$0x3] =	wrdreg s9  }
0xb3: {  	[dreg:$0x4] =	wrdreg $0xC0  }
0xb4: {  	_ =	task [dreg:s12], $0x5FFFF  }
0xb5: {  	[dreg:$0x1] =	wrdreg $0xFFFFFFFF  }
0xb6: {  	[dreg:$0x0] =	wrdreg $0x60  }
0xb7: {  	[dreg:$0x2] =	wrdreg s2  }
0xb8: {  	[dreg:$0x3] =	wrdreg s4  }
0xb9: {  	[dreg:$0x4] =	wrdreg s5  }
0xba: {  	[dreg:$0x5] =	wrdreg s6  }
0xbb: {  	[dreg:$0x6] =	wrdreg s17  }
0xbc: {  	[dreg:$0x7] =	wrdreg s18  }
0xbd: {  	[dreg:$0x8] =	wrdreg $0x9  }
0xbe: {  	_ =	task.clear_ibuf [dreg:s12], $0x9FFFF;
	_ =	strace $0x90000046  }
0xbf: {  	s29 =	simm.s32 $0x9;
	_ =	strace $0x80000048  }
0xc0: {  	_ =	swait.ge [sflag:s29], $0x1  }
0xc1: {  	[sflag:s29] =	ssyncadd.s32 $0xFFFFFFFF  }
0xc2: {  	_ =	strace $0x90000048  }
0xc3: {  	_ =	sfence  }
0xc4: {  	s30 =	sld [smem:$0x0];
	_ =	sdelay $0x2  }
0xc5: {  	s31 =	sshll.u32 s1, $0xD;
	s1 =	sshrl.u32 s1, $0x2  }
0xc6: {  	s3 =	sand.u32 $0x4000, s31;
	s1 =	sadd.s32 s1, s30  }
0xc7: {  	s0 =	sor.u32 s3, s0;
	s1 =	sshll.u32 s1, $0x11  }
0xc8: {  	s0 =	sor.u32 s1, s0  }
0xc9: {  	s0 =	sadd.s32 $0x8F2B, s0  }
0xca: {  	[sflag:s0] =	ssyncadd.remote.s32 $0x1  }
0xcb: {  	_ =	sfence.sel $0xFFFF  }
0xcc: {  	[dreg:$0x0] =	wrdreg $0xFFFFFFFF;
	(pc) =	sbr.abs _section_cstart, $3  }
0xcd: {  	[dreg:$0x1] =	wrdreg $0xFFFFFFFF  }
0xce: {  	_ =	task.clear_ibuf [dreg:s12], $0x2FFFF;
	_ =	strace $0x9FFFFFFF  }
0xcf: {  	(tm) =	ssettm $0x7FFFFFFF  }
tec
execute0_lowered:
.L_overlay_start_1:
0x0: {  	(tag) =	ssettag $0x1  }
0x1: {  	s0 =	rddreg [dreg:$0x0]  }
0x2: {  	s1 =	rddreg [dreg:$0x1]  }
0x3: {  	s6 =	rddreg [dreg:$0x2]  }
0x4: {  	s3 =	rddreg [dreg:$0x3]  }
0x5: {  	s2 =	srdreg.scid;
	s4 =	rddreg [dreg:$0x4]  }
0x6: {  	s8 =	stileid.u32;
	s7 =	rddreg [dreg:$0x5]  }
0x7: {  	s29 =	simm.s32 $0xF;
	s19 =	simm.s32 $0x8400;
	s17 =	simm.s32 $0xC400  }
0x8: {  	s16 =	simm.s32 $0x10400;
	s31 =	simm.s32 $0x380;
	s28 =	simm.s32 $0x2  }
0x9: {  	s18 =	simm.s32 $0x7;
	p0 =	por $0x0, $0x0;
	s5 =	sand.u32 $0x1, s2  }
0xa: {  	s8 =	sshll.u32 s8, $0xA;
	s2 =	simm.s32 $0x0;
	s9 =	sshll.u32 s5, $0x9  }
0xb: {  	[smem:$0x7FF] =	sst s2;
	s5 =	ssub.s32 $0x2, s5;
	s8 =	sor.u32 s9, s8  }
0xc: {  	_ =	strace $0x80000047;
	s12 =	sshrl.u32 s5, $0x1;
	s9 =	sshrl.u32 s8, $0x3  }
0xd: {  	s21 =	sshll.u32 s8, $0x4;
	s0 =	sadd.s32 s0, s9;
	s20 =	sadd.s32 s1, s9  }
0xe: {  	s22 =	sadd.s32 s4, s21;
	s8 =	sor.u32 $0x800, s21;
	s24 =	sor.u32 $0x1000, s21  }
0xf: {  	s10 =	sor.u32 $0x1800, s21;
	s1 =	ssub.s32 s5, s12;
	[dreg:$0x7] =	wrdreg s0  }
0x10: {  	s5 =	simm.s32 $0x400;
	s12 =	simm.s32 $0xB;
	[dreg:$0x8] =	wrdreg s20  }
0x11: {  	s9 =	simm.s32 $0xD;
	[dreg:$0x9] =	wrdreg s22;
	s23 =	sadd.s32 s4, s8  }
0x12: {  	s25 =	sadd.s32 s4, s24;
	s26 =	sadd.s32 s4, s10;
	[dreg:$0xa] =	wrdreg s23  }
0x13: {  	s4 =	sadd.s32 s7, s21;
	s11 =	sadd.s32 s7, s8;
	[dreg:$0xb] =	wrdreg s25  }
0x14: {  	s13 =	sadd.s32 s7, s24;
	s14 =	sadd.s32 s7, s10;
	[dreg:$0xc] =	wrdreg s26  }
0x15: {  	s15 =	smax.u32 s1, $0x1;
	s22 =	simm.s32 $0x80;
	[dreg:$0xd] =	wrdreg s4  }
0x16: {  	s20 =	simm.s32 $0x4400;
	s24 =	simm.s32 $0x180;
	[dreg:$0xe] =	wrdreg s11  }
0x17: {  	s8 =	simm.s32 $0x1;
	s21 =	simm.s32 $0x6;
	[dreg:$0xf] =	wrdreg s13  }
0x18: {  	s10 =	simm.s32 $0xC;
	s7 =	simm.s32 $0xE;
	[dreg:$0x10] =	wrdreg s14  }
0x19: {  	s25 =	simm.s32 $0x200;
	s23 =	simm.s32 $0x100;
	p1 =	sne.s32 s15, $0x1  }
.Ltmp0:
0x1a: {  	[dreg:$0x12] =	wrdreg s24;
	s26 =	simm.s32 $0x280;
	(pc) =	sbr.rel @!p1 .LBB2_1-.Ltmp0, $4  }
0x1b: {  	s13 =	simm.s32 $0x14400;
	s11 =	simm.s32 $0x18400;
	s4 =	simm.s32 $0x8  }
0x1c: {  	s24 =	simm.s32 $0x4;
	s30 =	sadd.s32 $0xFFFFFFFF, s15;
	s0 =	rddreg [dreg:$0x7]  }
0x1d: {  	s15 =	simm.s32 $0x9;
	s14 =	simm.s32 $0xA;
	[dreg:$0x11] =	wrdreg s23  }
0x1e: {  	[dreg:$0x13] =	wrdreg s26;
	s26 =	simm.s32 $0x3;
	s23 =	simm.s32 $0x5  }
0x1f: {  	[tilespmem:s2], [sflag:$0xF] =	stream.linear.gather [hbm4b:s0+s2], $0x200, $0x38;
	[tilespmem:$0x1C400] =	vst v63  }
0x20: {  	_ =	swait.ge [sflag:s29], $0x200  }
0x21: {  	[sflag:s29] =	ssyncset.done $0x0  }
0x22: {  	s1 =	rddreg [dreg:$0x8];
	[sflag:s29] =	ssyncadd.s32 $0xFFFFFE00  }
0x23: {  	[tilespmem:s25], [sflag:$0xF] =	stream.linear.gather [hbm4b:s1+s2], $0x200, $0x38;
	[tilespmem:$0x1C400] =	vst v63  }
0x24: {  	_ =	swait.ge [sflag:s29], $0x200  }
0x25: {  	[sflag:s29] =	ssyncset.done $0x0  }
0x26: {  	[sflag:s29] =	ssyncadd.s32 $0xFFFFFE00  }
0x27: {  	[tilespmem:s5], [sflag:$0x1] =	stream.indirect.gather [hbm4b:s6+s22], $0x80, s2, s22, $0xb8;
	[tilespmem:$0x1C400] =	vst v63  }
0x28: {  	_ = 	snop  }
0x29: {  	[tilespmem:s20], [sflag:$0x2] =	stream.indirect.gather [hbm4b:s6+s22], $0x80, s22, s22, $0xb8;
	[tilespmem:$0x1C400] =	vst v63  }
0x2a: {  	s0 =	rddreg [dreg:$0x11]  }
0x2b: {  	[tilespmem:s19], [sflag:$0x3] =	stream.indirect.gather [hbm4b:s6+s22], $0x80, s0, s22, $0xb8;
	[tilespmem:$0x1C400] =	vst v63  }
0x2c: {  	s1 =	rddreg [dreg:$0x12]  }
0x2d: {  	[tilespmem:s17], [sflag:$0x4] =	stream.indirect.gather [hbm4b:s6+s22], $0x80, s1, s22, $0xb8;
	[tilespmem:$0x1C400] =	vst v63  }
0x2e: {  	_ = 	snop  }
0x2f: {  	[tilespmem:s16], [sflag:$0x5] =	stream.indirect.gather [hbm4b:s3+s22], $0x80, s25, s22, $0xb8;
	[tilespmem:$0x1C400] =	vst v63  }
0x30: {  	s1 =	rddreg [dreg:$0x13]  }
0x31: {  	[tilespmem:s13], [sflag:$0x6] =	stream.indirect.gather [hbm4b:s3+s22], $0x80, s1, s22, $0xb8;
	[tilespmem:$0x1C400] =	vst v63  }
0x32: {  	s1 =	simm.s32 $0x300  }
0x33: {  	[tilespmem:s11], [sflag:$0x7] =	stream.indirect.gather [hbm4b:s3+s22], $0x80, s1, s22, $0xb8;
	[tilespmem:$0x1C400] =	vst v63  }
0x34: {  	_ =	swait.ge [sflag:s8], $0x4000  }
0x35: {  	[sflag:s8] =	ssyncset.done $0x0  }
0x36: {  	s1 =	rddreg [dreg:$0x9];
	[sflag:s8] =	ssyncadd.s32 $0xFFFFC000  }
0x37: {  	[hbm4b:s1+s2] =	stream.linear.scatter [tilespmem:s5], [sflag:$0x8], $0x4000, $0x38;
	[tilespmem:$0x1C400] =	vst v63  }
0x38: {  	_ =	swait.ge [sflag:s4], $0x4000  }
0x39: {  	[sflag:s4] =	ssyncset.done $0x0  }
0x3a: {  	[sflag:s4] =	ssyncadd.s32 $0xFFFFC000  }
0x3b: {  	[tilespmem:s5], [sflag:$0x1] =	stream.indirect.gather [hbm4b:s3+s22], $0x80, s31, s22, $0xb8;
	[tilespmem:$0x1C400] =	vst v63  }
0x3c: {  	_ =	swait.ge [sflag:s28], $0x4000  }
0x3d: {  	[sflag:s28] =	ssyncset.done $0x0  }
0x3e: {  	s1 =	rddreg [dreg:$0xa];
	[sflag:s28] =	ssyncadd.s32 $0xFFFFC000  }
0x3f: {  	[hbm4b:s1+s2] =	stream.linear.scatter [tilespmem:s20], [sflag:$0x9], $0x4000, $0x38;
	[tilespmem:$0x1C400] =	vst v63  }
0x40: {  	_ =	swait.ge [sflag:s26], $0x4000  }
0x41: {  	[sflag:s26] =	ssyncset.done $0x0  }
0x42: {  	s1 =	rddreg [dreg:$0xb];
	[sflag:s26] =	ssyncadd.s32 $0xFFFFC000  }
0x43: {  	[hbm4b:s1+s2] =	stream.linear.scatter [tilespmem:s19], [sflag:$0xA], $0x4000, $0x38;
	[tilespmem:$0x1C400] =	vst v63  }
0x44: {  	_ =	swait.ge [sflag:s24], $0x4000  }
0x45: {  	[sflag:s24] =	ssyncset.done $0x0  }
0x46: {  	s1 =	rddreg [dreg:$0xc];
	[sflag:s24] =	ssyncadd.s32 $0xFFFFC000  }
0x47: {  	[hbm4b:s1+s2] =	stream.linear.scatter [tilespmem:s17], [sflag:$0xB], $0x4000, $0x38;
	[tilespmem:$0x1C400] =	vst v63  }
0x48: {  	_ =	swait.ge [sflag:s23], $0x4000  }
0x49: {  	[sflag:s23] =	ssyncset.done $0x0  }
0x4a: {  	s1 =	rddreg [dreg:$0xd];
	[sflag:s23] =	ssyncadd.s32 $0xFFFFC000  }
0x4b: {  	[hbm4b:s1+s2] =	stream.linear.scatter [tilespmem:s16], [sflag:$0xC], $0x4000, $0x38;
	[tilespmem:$0x1C400] =	vst v63  }
0x4c: {  	_ =	swait.ge [sflag:s21], $0x4000  }
0x4d: {  	[sflag:s21] =	ssyncset.done $0x0  }
0x4e: {  	s1 =	rddreg [dreg:$0xe];
	[sflag:s21] =	ssyncadd.s32 $0xFFFFC000  }
0x4f: {  	[hbm4b:s1+s2] =	stream.linear.scatter [tilespmem:s13], [sflag:$0xD], $0x4000, $0x38;
	[tilespmem:$0x1C400] =	vst v63  }
0x50: {  	_ =	swait.ge [sflag:s18], $0x4000  }
0x51: {  	[sflag:s18] =	ssyncset.done $0x0  }
0x52: {  	s1 =	rddreg [dreg:$0xf];
	[sflag:s18] =	ssyncadd.s32 $0xFFFFC000  }
0x53: {  	[hbm4b:s1+s2] =	stream.linear.scatter [tilespmem:s11], [sflag:$0xE], $0x4000, $0x38;
	[tilespmem:$0x1C400] =	vst v63  }
0x54: {  	_ =	swait.ge [sflag:s8], $0x4000  }
0x55: {  	[sflag:s8] =	ssyncset.done $0x0  }
0x56: {  	s1 =	rddreg [dreg:$0x10];
	[sflag:s8] =	ssyncadd.s32 $0xFFFFC000  }
0x57: {  	[hbm4b:s1+s2] =	stream.linear.scatter [tilespmem:s5], [sflag:$0x8], $0x4000, $0x38;
	[tilespmem:$0x1C400] =	vst v63  }
0x58: {  	_ =	swait.ge [sflag:s15], $0x4000  }
0x59: {  	[sflag:s15] =	ssyncset.done $0x0  }
0x5a: {  	[sflag:s15] =	ssyncadd.s32 $0xFFFFC000  }
0x5b: {  	_ =	swait.ge [sflag:s14], $0x4000  }
0x5c: {  	[sflag:s14] =	ssyncset.done $0x0  }
0x5d: {  	[sflag:s14] =	ssyncadd.s32 $0xFFFFC000  }
0x5e: {  	_ =	swait.ge [sflag:s12], $0x4000  }
0x5f: {  	[sflag:s12] =	ssyncset.done $0x0  }
0x60: {  	[sflag:s12] =	ssyncadd.s32 $0xFFFFC000  }
0x61: {  	_ =	swait.ge [sflag:s10], $0x4000  }
0x62: {  	[sflag:s10] =	ssyncset.done $0x0  }
0x63: {  	[sflag:s10] =	ssyncadd.s32 $0xFFFFC000  }
0x64: {  	_ =	swait.ge [sflag:s9], $0x4000  }
0x65: {  	[sflag:s9] =	ssyncset.done $0x0  }
0x66: {  	p1 =	sne.s32 s30, $0x1;
	[sflag:s9] =	ssyncadd.s32 $0xFFFFC000  }
.Ltmp1:
0x67: {  	_ =	swait.ge [sflag:s7], $0x4000;
	(pc) =	sbr.rel @!p1 .LBB2_3-.Ltmp1, $4  }
0x68: {  	[sflag:s7] =	ssyncset.done $0x0  }
0x69: {  	[sflag:s7] =	ssyncadd.s32 $0xFFFFC000  }
0x6a: {  	p0 =	por $0x1, $0x1;
	_ =	swait.ge [sflag:s4], $0x4000  }
0x6b: {  	s1 =	sadd.s32 $0xFFFFFFFF, s30;
	s0 =	rddreg [dreg:$0x7];
	[sflag:s4] =	ssyncset.done $0x0  }
.LBB2_4:
0x6c: {  	[sflag:s4] =	ssyncadd.s32 $0xFFFFC000  }
0x6d: {  	[tilespmem:s2], [sflag:$0xF] =	stream.linear.gather [hbm4b:s0+s2], $0x200, $0x38;
	[tilespmem:$0x1C400] =	vst v63  }
0x6e: {  	_ =	swait.ge [sflag:s29], $0x200  }
0x6f: {  	[sflag:s29] =	ssyncset.done $0x0  }
0x70: {  	s30 =	rddreg [dreg:$0x8];
	[sflag:s29] =	ssyncadd.s32 $0xFFFFFE00  }
0x71: {  	[tilespmem:s25], [sflag:$0xF] =	stream.linear.gather [hbm4b:s30+s2], $0x200, $0x38;
	[tilespmem:$0x1C400] =	vst v63  }
0x72: {  	_ =	swait.ge [sflag:s29], $0x200  }
0x73: {  	[sflag:s29] =	ssyncset.done $0x0  }
0x74: {  	[sflag:s29] =	ssyncadd.s32 $0xFFFFFE00  }
0x75: {  	[tilespmem:s5], [sflag:$0x1] =	stream.indirect.gather [hbm4b:s6+s22], $0x80, s2, s22, $0xb8;
	[tilespmem:$0x1C400] =	vst v63  }
0x76: {  	_ = 	snop  }
0x77: {  	[tilespmem:s20], [sflag:$0x2] =	stream.indirect.gather [hbm4b:s6+s22], $0x80, s22, s22, $0xb8;
	[tilespmem:$0x1C400] =	vst v63  }
0x78: {  	s0 =	rddreg [dreg:$0x11]  }
0x79: {  	[tilespmem:s19], [sflag:$0x3] =	stream.indirect.gather [hbm4b:s6+s22], $0x80, s0, s22, $0xb8;
	[tilespmem:$0x1C400] =	vst v63  }
0x7a: {  	s30 =	rddreg [dreg:$0x12]  }
0x7b: {  	[tilespmem:s17], [sflag:$0x4] =	stream.indirect.gather [hbm4b:s6+s22], $0x80, s30, s22, $0xb8;
	[tilespmem:$0x1C400] =	vst v63  }
0x7c: {  	_ = 	snop  }
0x7d: {  	[tilespmem:s16], [sflag:$0x5] =	stream.indirect.gather [hbm4b:s3+s22], $0x80, s25, s22, $0xb8;
	[tilespmem:$0x1C400] =	vst v63  }
0x7e: {  	s30 =	rddreg [dreg:$0x13]  }
0x7f: {  	[tilespmem:s13], [sflag:$0x6] =	stream.indirect.gather [hbm4b:s3+s22], $0x80, s30, s22, $0xb8;
	[tilespmem:$0x1C400] =	vst v63  }
0x80: {  	s30 =	simm.s32 $0x300  }
0x81: {  	[tilespmem:s11], [sflag:$0x7] =	stream.indirect.gather [hbm4b:s3+s22], $0x80, s30, s22, $0xb8;
	[tilespmem:$0x1C400] =	vst v63  }
0x82: {  	_ =	swait.ge [sflag:s8], $0x4000  }
0x83: {  	[sflag:s8] =	ssyncset.done $0x0  }
0x84: {  	s30 =	rddreg [dreg:$0x9];
	[sflag:s8] =	ssyncadd.s32 $0xFFFFC000  }
0x85: {  	[hbm4b:s30+s2] =	stream.linear.scatter [tilespmem:s5], [sflag:$0x8], $0x4000, $0x38;
	[tilespmem:$0x1C400] =	vst v63  }
0x86: {  	_ =	swait.ge [sflag:s4], $0x4000  }
0x87: {  	[sflag:s4] =	ssyncset.done $0x0  }
0x88: {  	[sflag:s4] =	ssyncadd.s32 $0xFFFFC000  }
0x89: {  	[tilespmem:s5], [sflag:$0x1] =	stream.indirect.gather [hbm4b:s3+s22], $0x80, s31, s22, $0xb8;
	[tilespmem:$0x1C400] =	vst v63  }
0x8a: {  	_ =	swait.ge [sflag:s28], $0x4000  }
0x8b: {  	[sflag:s28] =	ssyncset.done $0x0  }
0x8c: {  	s30 =	rddreg [dreg:$0xa];
	[sflag:s28] =	ssyncadd.s32 $0xFFFFC000  }
0x8d: {  	[hbm4b:s30+s2] =	stream.linear.scatter [tilespmem:s20], [sflag:$0x9], $0x4000, $0x38;
	[tilespmem:$0x1C400] =	vst v63  }
0x8e: {  	_ =	swait.ge [sflag:s26], $0x4000  }
0x8f: {  	[sflag:s26] =	ssyncset.done $0x0  }
0x90: {  	s30 =	rddreg [dreg:$0xb];
	[sflag:s26] =	ssyncadd.s32 $0xFFFFC000  }
0x91: {  	[hbm4b:s30+s2] =	stream.linear.scatter [tilespmem:s19], [sflag:$0xA], $0x4000, $0x38;
	[tilespmem:$0x1C400] =	vst v63  }
0x92: {  	_ =	swait.ge [sflag:s24], $0x4000  }
0x93: {  	[sflag:s24] =	ssyncset.done $0x0  }
0x94: {  	s30 =	rddreg [dreg:$0xc];
	[sflag:s24] =	ssyncadd.s32 $0xFFFFC000  }
0x95: {  	[hbm4b:s30+s2] =	stream.linear.scatter [tilespmem:s17], [sflag:$0xB], $0x4000, $0x38;
	[tilespmem:$0x1C400] =	vst v63  }
0x96: {  	_ =	swait.ge [sflag:s23], $0x4000  }
0x97: {  	[sflag:s23] =	ssyncset.done $0x0  }
0x98: {  	s30 =	rddreg [dreg:$0xd];
	[sflag:s23] =	ssyncadd.s32 $0xFFFFC000  }
0x99: {  	[hbm4b:s30+s2] =	stream.linear.scatter [tilespmem:s16], [sflag:$0xC], $0x4000, $0x38;
	[tilespmem:$0x1C400] =	vst v63  }
0x9a: {  	_ =	swait.ge [sflag:s21], $0x4000  }
0x9b: {  	[sflag:s21] =	ssyncset.done $0x0  }
0x9c: {  	s30 =	rddreg [dreg:$0xe];
	[sflag:s21] =	ssyncadd.s32 $0xFFFFC000  }
0x9d: {  	[hbm4b:s30+s2] =	stream.linear.scatter [tilespmem:s13], [sflag:$0xD], $0x4000, $0x38;
	[tilespmem:$0x1C400] =	vst v63  }
0x9e: {  	_ =	swait.ge [sflag:s18], $0x4000  }
0x9f: {  	[sflag:s18] =	ssyncset.done $0x0  }
0xa0: {  	s30 =	rddreg [dreg:$0xf];
	[sflag:s18] =	ssyncadd.s32 $0xFFFFC000  }
0xa1: {  	[hbm4b:s30+s2] =	stream.linear.scatter [tilespmem:s11], [sflag:$0xE], $0x4000, $0x38;
	[tilespmem:$0x1C400] =	vst v63  }
0xa2: {  	_ =	swait.ge [sflag:s8], $0x4000  }
0xa3: {  	[sflag:s8] =	ssyncset.done $0x0  }
0xa4: {  	s30 =	rddreg [dreg:$0x10];
	[sflag:s8] =	ssyncadd.s32 $0xFFFFC000  }
0xa5: {  	[hbm4b:s30+s2] =	stream.linear.scatter [tilespmem:s5], [sflag:$0x8], $0x4000, $0x38;
	[tilespmem:$0x1C400] =	vst v63  }
0xa6: {  	_ =	swait.ge [sflag:s15], $0x4000  }
0xa7: {  	[sflag:s15] =	ssyncset.done $0x0  }
0xa8: {  	[sflag:s15] =	ssyncadd.s32 $0xFFFFC000  }
0xa9: {  	_ =	swait.ge [sflag:s14], $0x4000  }
0xaa: {  	[sflag:s14] =	ssyncset.done $0x0  }
0xab: {  	[sflag:s14] =	ssyncadd.s32 $0xFFFFC000  }
0xac: {  	_ =	swait.ge [sflag:s12], $0x4000  }
0xad: {  	[sflag:s12] =	ssyncset.done $0x0  }
0xae: {  	[sflag:s12] =	ssyncadd.s32 $0xFFFFC000  }
0xaf: {  	_ =	swait.ge [sflag:s10], $0x4000  }
0xb0: {  	[sflag:s10] =	ssyncset.done $0x0  }
0xb1: {  	[sflag:s10] =	ssyncadd.s32 $0xFFFFC000  }
0xb2: {  	_ =	swait.ge [sflag:s9], $0x4000  }
0xb3: {  	[sflag:s9] =	ssyncset.done $0x0  }
0xb4: {  	p1 =	sne.s32 s1, $0x1;
	[sflag:s9] =	ssyncadd.s32 $0xFFFFC000  }
.Ltmp2:
0xb5: {  	_ =	swait.ge [sflag:s7], $0x4000;
	(pc) =	sbr.rel @p1 .LBB2_4-.Ltmp2, $4  }
0xb6: {  	[sflag:s7] =	ssyncset.done $0x0  }
0xb7: {  	[sflag:s7] =	ssyncadd.s32 $0xFFFFC000  }
0xb8: {  	_ =	swait.ge [sflag:s4], $0x4000  }
0xb9: {  	s1 =	sadd.s32 $0xFFFFFFFF, s1;
	s0 =	rddreg [dreg:$0x7];
	[sflag:s4] =	ssyncset.done $0x0  }
0xba: {  	s30 =	simm.s32 $0x300;
	s31 =	simm.s32 $0x380  }
.LBB2_6:
0xbb: {  	[sflag:s4] =	ssyncadd.s32 @p0 $0xFFFFC000  }
0xbc: {  	[tilespmem:s2], [sflag:$0xF] =	stream.linear.gather [hbm4b:s0+s2], $0x200, $0x38;
	[tilespmem:$0x1C400] =	vst v63  }
0xbd: {  	_ =	swait.ge [sflag:s29], $0x200  }
0xbe: {  	[sflag:s29] =	ssyncset.done $0x0  }
0xbf: {  	s1 =	rddreg [dreg:$0x8];
	[sflag:s29] =	ssyncadd.s32 $0xFFFFFE00  }
0xc0: {  	[tilespmem:s25], [sflag:$0xF] =	stream.linear.gather [hbm4b:s1+s2], $0x200, $0x38;
	[tilespmem:$0x1C400] =	vst v63  }
0xc1: {  	_ =	swait.ge [sflag:s29], $0x200  }
0xc2: {  	[sflag:s29] =	ssyncset.done $0x0  }
0xc3: {  	[sflag:s29] =	ssyncadd.s32 $0xFFFFFE00  }
0xc4: {  	[tilespmem:s5], [sflag:$0x1] =	stream.indirect.gather [hbm4b:s6+s22], $0x80, s2, s22, $0xb8;
	[tilespmem:$0x1C400] =	vst v63  }
0xc5: {  	_ = 	snop  }
0xc6: {  	[tilespmem:s20], [sflag:$0x2] =	stream.indirect.gather [hbm4b:s6+s22], $0x80, s22, s22, $0xb8;
	[tilespmem:$0x1C400] =	vst v63  }
0xc7: {  	s29 =	rddreg [dreg:$0x11]  }
0xc8: {  	[tilespmem:s19], [sflag:$0x3] =	stream.indirect.gather [hbm4b:s6+s22], $0x80, s29, s22, $0xb8;
	[tilespmem:$0x1C400] =	vst v63  }
0xc9: {  	s1 =	rddreg [dreg:$0x12]  }
0xca: {  	[tilespmem:s17], [sflag:$0x4] =	stream.indirect.gather [hbm4b:s6+s22], $0x80, s1, s22, $0xb8;
	[tilespmem:$0x1C400] =	vst v63  }
0xcb: {  	_ = 	snop  }
0xcc: {  	[tilespmem:s16], [sflag:$0x5] =	stream.indirect.gather [hbm4b:s3+s22], $0x80, s25, s22, $0xb8;
	[tilespmem:$0x1C400] =	vst v63  }
0xcd: {  	s29 =	rddreg [dreg:$0x13]  }
0xce: {  	[tilespmem:s13], [sflag:$0x6] =	stream.indirect.gather [hbm4b:s3+s22], $0x80, s29, s22, $0xb8;
	[tilespmem:$0x1C400] =	vst v63  }
0xcf: {  	_ = 	snop  }
0xd0: {  	[tilespmem:s11], [sflag:$0x7] =	stream.indirect.gather [hbm4b:s3+s22], $0x80, s30, s22, $0xb8;
	[tilespmem:$0x1C400] =	vst v63  }
0xd1: {  	_ =	swait.ge [sflag:s8], $0x4000  }
0xd2: {  	[sflag:s8] =	ssyncset.done $0x0  }
0xd3: {  	s1 =	rddreg [dreg:$0x9];
	[sflag:s8] =	ssyncadd.s32 $0xFFFFC000  }
0xd4: {  	[hbm4b:s1+s2] =	stream.linear.scatter [tilespmem:s5], [sflag:$0x8], $0x4000, $0x38;
	[tilespmem:$0x1C400] =	vst v63  }
0xd5: {  	_ =	swait.ge [sflag:s4], $0x4000  }
0xd6: {  	[sflag:s4] =	ssyncset.done $0x0  }
0xd7: {  	[sflag:s4] =	ssyncadd.s32 $0xFFFFC000  }
0xd8: {  	[tilespmem:s5], [sflag:$0x1] =	stream.indirect.gather [hbm4b:s3+s22], $0x80, s31, s22, $0xb8;
	[tilespmem:$0x1C400] =	vst v63  }
0xd9: {  	_ =	swait.ge [sflag:s28], $0x4000  }
0xda: {  	[sflag:s28] =	ssyncset.done $0x0  }
0xdb: {  	s6 =	rddreg [dreg:$0xa];
	[sflag:s28] =	ssyncadd.s32 $0xFFFFC000  }
0xdc: {  	[hbm4b:s6+s2] =	stream.linear.scatter [tilespmem:s20], [sflag:$0x9], $0x4000, $0x38;
	[tilespmem:$0x1C400] =	vst v63  }
0xdd: {  	_ =	swait.ge [sflag:s26], $0x4000  }
0xde: {  	[sflag:s26] =	ssyncset.done $0x0  }
0xdf: {  	s22 =	rddreg [dreg:$0xb];
	[sflag:s26] =	ssyncadd.s32 $0xFFFFC000  }
0xe0: {  	[hbm4b:s22+s2] =	stream.linear.scatter [tilespmem:s19], [sflag:$0xA], $0x4000, $0x38;
	[tilespmem:$0x1C400] =	vst v63  }
0xe1: {  	_ =	swait.ge [sflag:s24], $0x4000  }
0xe2: {  	[sflag:s24] =	ssyncset.done $0x0  }
0xe3: {  	s25 =	rddreg [dreg:$0xc];
	[sflag:s24] =	ssyncadd.s32 $0xFFFFC000  }
0xe4: {  	[hbm4b:s25+s2] =	stream.linear.scatter [tilespmem:s17], [sflag:$0xB], $0x4000, $0x38;
	[tilespmem:$0x1C400] =	vst v63  }
0xe5: {  	_ =	swait.ge [sflag:s23], $0x4000  }
0xe6: {  	[sflag:s23] =	ssyncset.done $0x0  }
0xe7: {  	s26 =	rddreg [dreg:$0xd];
	[sflag:s23] =	ssyncadd.s32 $0xFFFFC000  }
0xe8: {  	[hbm4b:s26+s2] =	stream.linear.scatter [tilespmem:s16], [sflag:$0xC], $0x4000, $0x38;
	[tilespmem:$0x1C400] =	vst v63  }
0xe9: {  	_ =	swait.ge [sflag:s21], $0x4000  }
0xea: {  	[sflag:s21] =	ssyncset.done $0x0  }
0xeb: {  	s28 =	rddreg [dreg:$0xe];
	[sflag:s21] =	ssyncadd.s32 $0xFFFFC000  }
0xec: {  	[hbm4b:s28+s2] =	stream.linear.scatter [tilespmem:s13], [sflag:$0xD], $0x4000, $0x38;
	[tilespmem:$0x1C400] =	vst v63  }
0xed: {  	_ =	swait.ge [sflag:s18], $0x4000  }
0xee: {  	[sflag:s18] =	ssyncset.done $0x0  }
0xef: {  	s29 =	rddreg [dreg:$0xf];
	[sflag:s18] =	ssyncadd.s32 $0xFFFFC000  }
0xf0: {  	[hbm4b:s29+s2] =	stream.linear.scatter [tilespmem:s11], [sflag:$0xE], $0x4000, $0x38;
	[tilespmem:$0x1C400] =	vst v63  }
0xf1: {  	_ =	swait.ge [sflag:s8], $0x4000  }
0xf2: {  	[sflag:s8] =	ssyncset.done $0x0  }
0xf3: {  	s30 =	rddreg [dreg:$0x10];
	[sflag:s8] =	ssyncadd.s32 $0xFFFFC000  }
0xf4: {  	[hbm4b:s30+s2] =	stream.linear.scatter [tilespmem:s5], [sflag:$0x8], $0x4000, $0x38;
	[tilespmem:$0x1C400] =	vst v63  }
0xf5: {  	_ =	swait.ge [sflag:s15], $0x4000  }
0xf6: {  	[sflag:s15] =	ssyncset.done $0x0  }
0xf7: {  	[sflag:s15] =	ssyncadd.s32 $0xFFFFC000  }
0xf8: {  	_ =	swait.ge [sflag:s14], $0x4000  }
0xf9: {  	[sflag:s14] =	ssyncset.done $0x0  }
0xfa: {  	[sflag:s14] =	ssyncadd.s32 $0xFFFFC000  }
0xfb: {  	_ =	swait.ge [sflag:s12], $0x4000  }
0xfc: {  	[sflag:s12] =	ssyncset.done $0x0  }
0xfd: {  	[sflag:s12] =	ssyncadd.s32 $0xFFFFC000  }
0xfe: {  	_ =	swait.ge [sflag:s10], $0x4000  }
0xff: {  	[sflag:s10] =	ssyncset.done $0x0  }
0x100: {  	[sflag:s10] =	ssyncadd.s32 $0xFFFFC000  }
0x101: {  	_ =	swait.ge [sflag:s9], $0x4000  }
0x102: {  	[sflag:s9] =	ssyncset.done $0x0  }
0x103: {  	[sflag:s9] =	ssyncadd.s32 $0xFFFFC000  }
0x104: {  	_ =	swait.ge [sflag:s7], $0x4000  }
0x105: {  	[sflag:s7] =	ssyncset.done $0x0  }
0x106: {  	[sflag:s7] =	ssyncadd.s32 $0xFFFFC000  }
0x107: {  	_ =	swait.ge [sflag:s4], $0x4000  }
0x108: {  	[sflag:s4] =	ssyncset.done $0x0  }
0x109: {  	[sflag:s4] =	ssyncadd.s32 $0xFFFFC000  }
0x10a: {  	_ =	sfence.sel $0x180000  }
0x10b: {  	[bflag:$0x0] =	sbarrier.arrive $0xFFFF  }
0x10c: {  	_ =	strace $0x90000047  }
0x10d: {  	s31 =	stileid.u32;
	[bflag:$0x2] =	sbarrier.arrive $0xFFFF  }
0x10e: {  	p0 =	sne.s32 s31, $0x0;
	s0 =	rddreg [dreg:$0x6]  }
0x10f: {  	s0 =	sadd.s32 @!p0 $0x100000, s0  }
0x110: {  	[sflag:s0] =	ssyncadd.tile.s32 @!p0 $0x1;
	_ =	shalt  }
.LBB2_1:
.Ltmp3:
0x111: {  	(pc) =	sbr.rel .LBB2_6-.Ltmp3, $2  }
0x112: {  	_ =	sdelay $0x2  }
0x113: {  	s30 =	simm.s32 $0x300;
	s31 =	simm.s32 $0x380  }
.LBB2_3:
.Ltmp4:
0x114: {  	(pc) =	sbr.rel .LBB2_6-.Ltmp4, $2  }
0x115: {  	_ =	sdelay $0x2  }
0x116: {  	s30 =	simm.s32 $0x300;
	s31 =	simm.s32 $0x380  }
.Lfunc_end2:
_tile_overlayer_lowered:
.L_overlay_start_2:
0x117: {  	(tag) =	ssettag $0x2  }
0x118: {  	s0 =	rddreg [dreg:$0x0];
	s2 =	stileid.u32  }
0x119: {  	s1 =	rddreg [dreg:$0x1];
	p0 =	sne.s32 s2, $0x0  }
0x11a: {  	s3 =	rddreg [dreg:$0x2];
	[bflag:$0x3] =	sbarrier.arrive $0xFFFF;
	s2 =	simm.s32 @!p0 $0x1C0F  }
0x11b: {  	[timem:s3], [sflag:s2] =	dma.local @!p0 [hbm:s0], s1  }
0x11c: {  	s0 =	simm.s32 @!p0 $0xF  }
0x11d: {  	_ =	swait.ge @!p0 [sflag:s0], s1  }
0x11e: {  	s1 =	ssub.s32 @!p0 $0x0, s1;
	[sflag:s0] =	ssyncset.done @!p0 $0x0  }
0x11f: {  	[sflag:s0] =	ssyncadd.s32 @!p0 s1  }
0x120: {  	[bflag:$0x3] =	sbarrier.arrive $0xFFFF  }
0x121: {  	_ =	shalt  }

</sc_bundles>
